<compile_context>
chip_gen: v7x
topology: tpu7x:2x2x1
jax: 0.10.2.dev20260603
libtpu: 0.0.44.dev20260713+nightly
codegen_flags: <defaults>
</compile_context>

<pallas_src>
import functools

import jax
import jax.numpy as jnp
from jax import lax
from jax.experimental import pallas as pl
from jax.experimental.pallas import tpu as pltpu
from jax.experimental.pallas import tpu_sc as plsc

VOCAB = 100000
HIDDEN = 128
BATCH = 4096
SEQ = 50

NC = 2
NS = 16
NW = NC * NS
COLS_W = BATCH // NW
NBUF = 5
NG = SEQ // NBUF


def _embed_body(idx_hbm, table_hbm, out_hbm, idx_v, rows_v, gsems, wsems):
    c = lax.axis_index("c")
    s = lax.axis_index("s")
    wid = s * NC + c
    col = wid * COLS_W

    def gather(j, b):
        pltpu.async_copy(table_hbm.at[idx_v.at[j]], rows_v.at[b], gsems.at[b])

    def wait_gather(j, b):
        pltpu.make_async_copy(
            table_hbm.at[idx_v.at[j]], rows_v.at[b], gsems.at[b]
        ).wait()

    def write(j, b):
        pltpu.async_copy(
            rows_v.at[b], out_hbm.at[j, pl.ds(col, COLS_W)], wsems.at[b]
        )

    def wait_write(j, b):
        pltpu.make_async_copy(
            rows_v.at[b], out_hbm.at[j, pl.ds(col, COLS_W)], wsems.at[b]
        ).wait()

    pltpu.sync_copy(idx_hbm.at[:, pl.ds(col, COLS_W)], idx_v)

    for b in range(NBUF):
        gather(b, b)
    wait_gather(0, 0)
    write(0, 0)

    def group(g, carry):
        for i in range(NBUF):
            j = g * NBUF + i + 1
            b = j % NBUF
            bp = (j - 1) % NBUF
            wait_write(j - 1, bp)
            gather(j - 1 + NBUF, bp)
            wait_gather(j, b)
            write(j, b)
        return carry

    lax.fori_loop(0, (SEQ - NBUF) // NBUF, group, 0)

    for j in range(SEQ - NBUF + 1, SEQ):
        b = j % NBUF
        wait_gather(j, b)
        write(j, b)

    for j in range(SEQ - NBUF, SEQ):
        wait_write(j, j % NBUF)


@functools.partial(jax.jit, static_argnums=())
def _embed(idx_t, table):
    mesh = plsc.VectorSubcoreMesh(core_axis_name="c", subcore_axis_name="s")
    return pl.kernel(
        _embed_body,
        mesh=mesh,
        out_type=jax.ShapeDtypeStruct((SEQ, BATCH, HIDDEN), jnp.float32),
        scratch_types=[
            pltpu.VMEM((SEQ, COLS_W), jnp.int32),
            pltpu.VMEM((NBUF, COLS_W, HIDDEN), jnp.float32),
            pltpu.SemaphoreType.DMA((NBUF,)),
            pltpu.SemaphoreType.DMA((NBUF,)),
        ],
    )(idx_t, table)


def kernel(inputs, embedding):
    idx_t = inputs.astype(jnp.int32).T
    out = _embed(idx_t, embedding)
    return out.transpose(1, 0, 2)

# --- scband reference (transcript-rebuilt; emitter-appended) ---
"""Pipeline reference for scband-vocab-parallel-embed-23441931502251 (READ-ONLY COPY).

The authoritative reference and input builder live on the scoring server;
editing this copy changes nothing except your own understanding.
"""

import jax, jax.numpy as jnp
import numpy as np

VOCAB = 100000
HIDDEN = 128
BATCH = 4096
SEQ = 50

def setup_inputs(seed: int = 0) -> dict:
    key = jax.random.key(seed)
    k_idx, k_emb = jax.random.split(key)
    inputs = jax.random.randint(k_idx, (BATCH, SEQ), 0, VOCAB, dtype=jnp.int64 if jax.config.jax_enable_x64 else jnp.int32)
    # nn.Embed default init: variance_scaling(1.0, 'fan_in', 'normal', out_axis=0) on [vocab, hidden]
    embedding = jax.random.normal(k_emb, (VOCAB, HIDDEN), dtype=jnp.float32) * (1.0 / np.sqrt(HIDDEN))
    return {"inputs": inputs, "embedding": embedding}

def reference(inputs, embedding):
    # VocabParallelEmbed.__call__: out = self.embed(x) -> gather rows of embedding table
    out = jnp.take(embedding, inputs, axis=0)
    return out

if __name__ == "__main__":
    import jax
    _d = setup_inputs()
    print(jax.jit(kernel)(*tuple(_d.values())))

</pallas_src>

<mosaic_0001>
#map = affine_map<(d0, d1) -> (0, 0)>
#map1 = affine_map<(d0, d1) -> (0, 0, 0)>
module attributes {stable_mosaic.version = 14 : i64} {
  func.func @_embed_body(%arg0: i32, %arg1: i32, %arg2: memref<50x4096xi32, #tpu.memory_space<hbm>>, %arg3: memref<100000x128xf32, #tpu.memory_space<hbm>>, %arg4: memref<50x4096x128xf32, #tpu.memory_space<hbm>>, %arg5: memref<50x128xi32, #tpu.memory_space<vmem>>, %arg6: memref<5x128x128xf32, #tpu.memory_space<vmem>>, %arg7: memref<5x!tpu.dma_semaphore, #tpu.memory_space<semaphore_mem>>, %arg8: memref<5x!tpu.dma_semaphore, #tpu.memory_space<semaphore_mem>>) attributes {dimension_semantics = [#tpu.dimension_semantics<core_parallel>, #tpu.dimension_semantics<subcore_parallel>], iteration_bounds = array<i64: 2, 16>, scalar_prefetch = 0 : i64, scratch_operands = 4 : i64, tpu.core_type = #tpu.core_type<sc_vector_subcore>, window_params = [{transform_indices = #map}, {transform_indices = #map}, {transform_indices = #map1}]} {
    %mul3A = arith.constant 2 : i32
    %mul3A_0 = arith.muli %arg1, %mul3A : i32
    %add3A = arith.addi %mul3A_0, %arg0 : i32
    %mul3A_1 = arith.constant 128 : i32
    %mul3A_2 = arith.muli %add3A, %mul3A_1 : i32
    "tpu.region"() ({
      %run_scoped3A = tpu.sem_alloc : memref<!tpu.dma_semaphore, #tpu.memory_space<semaphore_mem>>
      %dma_start3A_346 = arith.constant 0 : i32
      %dma_start3A_347 = tpu.memref_slice %arg2[%dma_start3A_346, %mul3A_2] : memref<50x4096xi32, #tpu.memory_space<hbm>> -> memref<50x128xi32, #tpu.memory_space<hbm>>
      %dma_start3A_348 = arith.constant 0 : i32
      %dma_start3A_349 = tpu.memref_slice %arg2[%dma_start3A_348, %mul3A_2] : memref<50x4096xi32, #tpu.memory_space<hbm>> -> memref<50x128xi32, #tpu.memory_space<hbm>>
      tpu.enqueue_dma source(%dma_start3A_349 : memref<50x128xi32, #tpu.memory_space<hbm>>) target(%arg5 : memref<50x128xi32, #tpu.memory_space<vmem>>) target_semaphore(%run_scoped3A : memref<!tpu.dma_semaphore, #tpu.memory_space<semaphore_mem>>)
      %dma_wait3A_350 = arith.constant 0 : i32
      %dma_wait3A_351 = tpu.memref_slice %arg2[%dma_wait3A_350, %mul3A_2] : memref<50x4096xi32, #tpu.memory_space<hbm>> -> memref<50x128xi32, #tpu.memory_space<hbm>>
      %dma_wait3A_352 = arith.constant 0 : i32
      %dma_wait3A_353 = tpu.memref_slice %arg2[%dma_wait3A_352, %mul3A_2] : memref<50x4096xi32, #tpu.memory_space<hbm>> -> memref<50x128xi32, #tpu.memory_space<hbm>>
      tpu.wait_dma2 semaphore(%run_scoped3A : memref<!tpu.dma_semaphore, #tpu.memory_space<semaphore_mem>>) src(%dma_wait3A_353 : memref<50x128xi32, #tpu.memory_space<hbm>>) dst(%arg5 : memref<50x128xi32, #tpu.memory_space<vmem>>)
      tpu.yield
    }) : () -> ()
    %dma_start3A = arith.constant 0 : i32
    %dma_start3A_3 = arith.constant 0 : i32
    %dma_start3A_4 = arith.constant 0 : i32
    %dma_start3A_5 = arith.constant 0 : i32
    %dma_start3A_6 = arith.constant 0 : i32
    %dma_start3A_7 = tpu.memref_slice %arg6[%dma_start3A_3, %dma_start3A_5, %dma_start3A_6] : memref<5x128x128xf32, #tpu.memory_space<vmem>> -> memref<1x128x128xf32, #tpu.memory_space<vmem>>
    %dma_start3A_8 = tpu.memref_squeeze %dma_start3A_7 : memref<1x128x128xf32, #tpu.memory_space<vmem>> -> memref<128x128xf32, #tpu.memory_space<vmem>>
    %dma_start3A_9 = arith.constant 0 : i32
    %dma_start3A_10 = tpu.memref_slice %arg5[%dma_start3A, %dma_start3A_9] : memref<50x128xi32, #tpu.memory_space<vmem>> -> memref<1x128xi32, #tpu.memory_space<vmem>>
    %dma_start3A_11 = tpu.memref_squeeze %dma_start3A_10 : memref<1x128xi32, #tpu.memory_space<vmem>> -> memref<128xi32, #tpu.memory_space<vmem>>
    %dma_start3A_12 = arith.constant 0 : i32
    %dma_start3A_13 = arith.constant 0 : i32
    %dma_start3A_14 = tpu.memref_slice %arg3[%dma_start3A_12, %dma_start3A_13] : memref<100000x128xf32, #tpu.memory_space<hbm>> -> memref<100000x128xf32, #tpu.memory_space<hbm>>
    %dma_start3A_15 = tpu.memref_slice %arg7[%dma_start3A_4] : memref<5x!tpu.dma_semaphore, #tpu.memory_space<semaphore_mem>> -> memref<1x!tpu.dma_semaphore, #tpu.memory_space<semaphore_mem>>
    %dma_start3A_16 = tpu.memref_squeeze %dma_start3A_15 : memref<1x!tpu.dma_semaphore, #tpu.memory_space<semaphore_mem>> -> memref<!tpu.dma_semaphore, #tpu.memory_space<semaphore_mem>>
    tpu.enqueue_indirect_dma source(%dma_start3A_14 : memref<100000x128xf32, #tpu.memory_space<hbm>>) target(%dma_start3A_8 : memref<128x128xf32, #tpu.memory_space<vmem>>) offsets(%dma_start3A_11 : memref<128xi32, #tpu.memory_space<vmem>>) semaphore(%dma_start3A_16 : memref<!tpu.dma_semaphore, #tpu.memory_space<semaphore_mem>>)
    %dma_start3A_17 = arith.constant 1 : i32
    %dma_start3A_18 = arith.constant 1 : i32
    %dma_start3A_19 = arith.constant 1 : i32
    %dma_start3A_20 = arith.constant 0 : i32
    %dma_start3A_21 = arith.constant 0 : i32
    %dma_start3A_22 = tpu.memref_slice %arg6[%dma_start3A_18, %dma_start3A_20, %dma_start3A_21] : memref<5x128x128xf32, #tpu.memory_space<vmem>> -> memref<1x128x128xf32, #tpu.memory_space<vmem>>
    %dma_start3A_23 = tpu.memref_squeeze %dma_start3A_22 : memref<1x128x128xf32, #tpu.memory_space<vmem>> -> memref<128x128xf32, #tpu.memory_space<vmem>>
    %dma_start3A_24 = arith.constant 0 : i32
    %dma_start3A_25 = tpu.memref_slice %arg5[%dma_start3A_17, %dma_start3A_24] : memref<50x128xi32, #tpu.memory_space<vmem>> -> memref<1x128xi32, #tpu.memory_space<vmem>>
    %dma_start3A_26 = tpu.memref_squeeze %dma_start3A_25 : memref<1x128xi32, #tpu.memory_space<vmem>> -> memref<128xi32, #tpu.memory_space<vmem>>
    %dma_start3A_27 = arith.constant 0 : i32
    %dma_start3A_28 = arith.constant 0 : i32
    %dma_start3A_29 = tpu.memref_slice %arg3[%dma_start3A_27, %dma_start3A_28] : memref<100000x128xf32, #tpu.memory_space<hbm>> -> memref<100000x128xf32, #tpu.memory_space<hbm>>
    %dma_start3A_30 = tpu.memref_slice %arg7[%dma_start3A_19] : memref<5x!tpu.dma_semaphore, #tpu.memory_space<semaphore_mem>> -> memref<1x!tpu.dma_semaphore, #tpu.memory_space<semaphore_mem>>
    %dma_start3A_31 = tpu.memref_squeeze %dma_start3A_30 : memref<1x!tpu.dma_semaphore, #tpu.memory_space<semaphore_mem>> -> memref<!tpu.dma_semaphore, #tpu.memory_space<semaphore_mem>>
    tpu.enqueue_indirect_dma source(%dma_start3A_29 : memref<100000x128xf32, #tpu.memory_space<hbm>>) target(%dma_start3A_23 : memref<128x128xf32, #tpu.memory_space<vmem>>) offsets(%dma_start3A_26 : memref<128xi32, #tpu.memory_space<vmem>>) semaphore(%dma_start3A_31 : memref<!tpu.dma_semaphore, #tpu.memory_space<semaphore_mem>>)
    %dma_start3A_32 = arith.constant 2 : i32
    %dma_start3A_33 = arith.constant 2 : i32
    %dma_start3A_34 = arith.constant 2 : i32
    %dma_start3A_35 = arith.constant 0 : i32
    %dma_start3A_36 = arith.constant 0 : i32
    %dma_start3A_37 = tpu.memref_slice %arg6[%dma_start3A_33, %dma_start3A_35, %dma_start3A_36] : memref<5x128x128xf32, #tpu.memory_space<vmem>> -> memref<1x128x128xf32, #tpu.memory_space<vmem>>
    %dma_start3A_38 = tpu.memref_squeeze %dma_start3A_37 : memref<1x128x128xf32, #tpu.memory_space<vmem>> -> memref<128x128xf32, #tpu.memory_space<vmem>>
    %dma_start3A_39 = arith.constant 0 : i32
    %dma_start3A_40 = tpu.memref_slice %arg5[%dma_start3A_32, %dma_start3A_39] : memref<50x128xi32, #tpu.memory_space<vmem>> -> memref<1x128xi32, #tpu.memory_space<vmem>>
    %dma_start3A_41 = tpu.memref_squeeze %dma_start3A_40 : memref<1x128xi32, #tpu.memory_space<vmem>> -> memref<128xi32, #tpu.memory_space<vmem>>
    %dma_start3A_42 = arith.constant 0 : i32
    %dma_start3A_43 = arith.constant 0 : i32
    %dma_start3A_44 = tpu.memref_slice %arg3[%dma_start3A_42, %dma_start3A_43] : memref<100000x128xf32, #tpu.memory_space<hbm>> -> memref<100000x128xf32, #tpu.memory_space<hbm>>
    %dma_start3A_45 = tpu.memref_slice %arg7[%dma_start3A_34] : memref<5x!tpu.dma_semaphore, #tpu.memory_space<semaphore_mem>> -> memref<1x!tpu.dma_semaphore, #tpu.memory_space<semaphore_mem>>
    %dma_start3A_46 = tpu.memref_squeeze %dma_start3A_45 : memref<1x!tpu.dma_semaphore, #tpu.memory_space<semaphore_mem>> -> memref<!tpu.dma_semaphore, #tpu.memory_space<semaphore_mem>>
    tpu.enqueue_indirect_dma source(%dma_start3A_44 : memref<100000x128xf32, #tpu.memory_space<hbm>>) target(%dma_start3A_38 : memref<128x128xf32, #tpu.memory_space<vmem>>) offsets(%dma_start3A_41 : memref<128xi32, #tpu.memory_space<vmem>>) semaphore(%dma_start3A_46 : memref<!tpu.dma_semaphore, #tpu.memory_space<semaphore_mem>>)
    %dma_start3A_47 = arith.constant 3 : i32
    %dma_start3A_48 = arith.constant 3 : i32
    %dma_start3A_49 = arith.constant 3 : i32
    %dma_start3A_50 = arith.constant 0 : i32
    %dma_start3A_51 = arith.constant 0 : i32
    %dma_start3A_52 = tpu.memref_slice %arg6[%dma_start3A_48, %dma_start3A_50, %dma_start3A_51] : memref<5x128x128xf32, #tpu.memory_space<vmem>> -> memref<1x128x128xf32, #tpu.memory_space<vmem>>
    %dma_start3A_53 = tpu.memref_squeeze %dma_start3A_52 : memref<1x128x128xf32, #tpu.memory_space<vmem>> -> memref<128x128xf32, #tpu.memory_space<vmem>>
    %dma_start3A_54 = arith.constant 0 : i32
    %dma_start3A_55 = tpu.memref_slice %arg5[%dma_start3A_47, %dma_start3A_54] : memref<50x128xi32, #tpu.memory_space<vmem>> -> memref<1x128xi32, #tpu.memory_space<vmem>>
    %dma_start3A_56 = tpu.memref_squeeze %dma_start3A_55 : memref<1x128xi32, #tpu.memory_space<vmem>> -> memref<128xi32, #tpu.memory_space<vmem>>
    %dma_start3A_57 = arith.constant 0 : i32
    %dma_start3A_58 = arith.constant 0 : i32
    %dma_start3A_59 = tpu.memref_slice %arg3[%dma_start3A_57, %dma_start3A_58] : memref<100000x128xf32, #tpu.memory_space<hbm>> -> memref<100000x128xf32, #tpu.memory_space<hbm>>
    %dma_start3A_60 = tpu.memref_slice %arg7[%dma_start3A_49] : memref<5x!tpu.dma_semaphore, #tpu.memory_space<semaphore_mem>> -> memref<1x!tpu.dma_semaphore, #tpu.memory_space<semaphore_mem>>
    %dma_start3A_61 = tpu.memref_squeeze %dma_start3A_60 : memref<1x!tpu.dma_semaphore, #tpu.memory_space<semaphore_mem>> -> memref<!tpu.dma_semaphore, #tpu.memory_space<semaphore_mem>>
    tpu.enqueue_indirect_dma source(%dma_start3A_59 : memref<100000x128xf32, #tpu.memory_space<hbm>>) target(%dma_start3A_53 : memref<128x128xf32, #tpu.memory_space<vmem>>) offsets(%dma_start3A_56 : memref<128xi32, #tpu.memory_space<vmem>>) semaphore(%dma_start3A_61 : memref<!tpu.dma_semaphore, #tpu.memory_space<semaphore_mem>>)
    %dma_start3A_62 = arith.constant 4 : i32
    %dma_start3A_63 = arith.constant 4 : i32
    %dma_start3A_64 = arith.constant 4 : i32
    %dma_start3A_65 = arith.constant 0 : i32
    %dma_start3A_66 = arith.constant 0 : i32
    %dma_start3A_67 = tpu.memref_slice %arg6[%dma_start3A_63, %dma_start3A_65, %dma_start3A_66] : memref<5x128x128xf32, #tpu.memory_space<vmem>> -> memref<1x128x128xf32, #tpu.memory_space<vmem>>
    %dma_start3A_68 = tpu.memref_squeeze %dma_start3A_67 : memref<1x128x128xf32, #tpu.memory_space<vmem>> -> memref<128x128xf32, #tpu.memory_space<vmem>>
    %dma_start3A_69 = arith.constant 0 : i32
    %dma_start3A_70 = tpu.memref_slice %arg5[%dma_start3A_62, %dma_start3A_69] : memref<50x128xi32, #tpu.memory_space<vmem>> -> memref<1x128xi32, #tpu.memory_space<vmem>>
    %dma_start3A_71 = tpu.memref_squeeze %dma_start3A_70 : memref<1x128xi32, #tpu.memory_space<vmem>> -> memref<128xi32, #tpu.memory_space<vmem>>
    %dma_start3A_72 = arith.constant 0 : i32
    %dma_start3A_73 = arith.constant 0 : i32
    %dma_start3A_74 = tpu.memref_slice %arg3[%dma_start3A_72, %dma_start3A_73] : memref<100000x128xf32, #tpu.memory_space<hbm>> -> memref<100000x128xf32, #tpu.memory_space<hbm>>
    %dma_start3A_75 = tpu.memref_slice %arg7[%dma_start3A_64] : memref<5x!tpu.dma_semaphore, #tpu.memory_space<semaphore_mem>> -> memref<1x!tpu.dma_semaphore, #tpu.memory_space<semaphore_mem>>
    %dma_start3A_76 = tpu.memref_squeeze %dma_start3A_75 : memref<1x!tpu.dma_semaphore, #tpu.memory_space<semaphore_mem>> -> memref<!tpu.dma_semaphore, #tpu.memory_space<semaphore_mem>>
    tpu.enqueue_indirect_dma source(%dma_start3A_74 : memref<100000x128xf32, #tpu.memory_space<hbm>>) target(%dma_start3A_68 : memref<128x128xf32, #tpu.memory_space<vmem>>) offsets(%dma_start3A_71 : memref<128xi32, #tpu.memory_space<vmem>>) semaphore(%dma_start3A_76 : memref<!tpu.dma_semaphore, #tpu.memory_space<semaphore_mem>>)
    %dma_wait3A = arith.constant 0 : i32
    %dma_wait3A_77 = arith.constant 0 : i32
    %dma_wait3A_78 = arith.constant 0 : i32
    %dma_wait3A_79 = arith.constant 0 : i32
    %dma_wait3A_80 = arith.constant 0 : i32
    %dma_wait3A_81 = tpu.memref_slice %arg6[%dma_wait3A_77, %dma_wait3A_79, %dma_wait3A_80] : memref<5x128x128xf32, #tpu.memory_space<vmem>> -> memref<1x128x128xf32, #tpu.memory_space<vmem>>
    %dma_wait3A_82 = tpu.memref_squeeze %dma_wait3A_81 : memref<1x128x128xf32, #tpu.memory_space<vmem>> -> memref<128x128xf32, #tpu.memory_space<vmem>>
    %dma_wait3A_83 = arith.constant 0 : i32
    %dma_wait3A_84 = tpu.memref_slice %arg5[%dma_wait3A, %dma_wait3A_83] : memref<50x128xi32, #tpu.memory_space<vmem>> -> memref<1x128xi32, #tpu.memory_space<vmem>>
    %dma_wait3A_85 = tpu.memref_squeeze %dma_wait3A_84 : memref<1x128xi32, #tpu.memory_space<vmem>> -> memref<128xi32, #tpu.memory_space<vmem>>
    %dma_wait3A_86 = arith.constant 0 : i32
    %dma_wait3A_87 = arith.constant 0 : i32
    %dma_wait3A_88 = tpu.memref_slice %arg3[%dma_wait3A_86, %dma_wait3A_87] : memref<100000x128xf32, #tpu.memory_space<hbm>> -> memref<100000x128xf32, #tpu.memory_space<hbm>>
    %dma_wait3A_89 = tpu.memref_slice %arg7[%dma_wait3A_78] : memref<5x!tpu.dma_semaphore, #tpu.memory_space<semaphore_mem>> -> memref<1x!tpu.dma_semaphore, #tpu.memory_space<semaphore_mem>>
    %dma_wait3A_90 = tpu.memref_squeeze %dma_wait3A_89 : memref<1x!tpu.dma_semaphore, #tpu.memory_space<semaphore_mem>> -> memref<!tpu.dma_semaphore, #tpu.memory_space<semaphore_mem>>
    tpu.wait_indirect_dma semaphore(%dma_wait3A_90 : memref<!tpu.dma_semaphore, #tpu.memory_space<semaphore_mem>>) src(%dma_wait3A_88 : memref<100000x128xf32, #tpu.memory_space<hbm>>) dst(%dma_wait3A_82 : memref<128x128xf32, #tpu.memory_space<vmem>>)
    %dma_start3A_91 = arith.constant 0 : i32
    %dma_start3A_92 = arith.constant 0 : i32
    %dma_start3A_93 = arith.constant 0 : i32
    %dma_start3A_94 = arith.constant 0 : i32
    %dma_start3A_95 = arith.constant 0 : i32
    %dma_start3A_96 = tpu.memref_slice %arg6[%dma_start3A_91, %dma_start3A_94, %dma_start3A_95] : memref<5x128x128xf32, #tpu.memory_space<vmem>> -> memref<1x128x128xf32, #tpu.memory_space<vmem>>
    %dma_start3A_97 = tpu.memref_squeeze %dma_start3A_96 : memref<1x128x128xf32, #tpu.memory_space<vmem>> -> memref<128x128xf32, #tpu.memory_space<vmem>>
    %dma_start3A_98 = arith.constant 0 : i32
    %dma_start3A_99 = tpu.memref_slice %arg4[%dma_start3A_92, %mul3A_2, %dma_start3A_98] : memref<50x4096x128xf32, #tpu.memory_space<hbm>> -> memref<1x128x128xf32, #tpu.memory_space<hbm>>
    %dma_start3A_100 = tpu.memref_squeeze %dma_start3A_99 : memref<1x128x128xf32, #tpu.memory_space<hbm>> -> memref<128x128xf32, #tpu.memory_space<hbm>>
    %dma_start3A_101 = tpu.memref_slice %arg8[%dma_start3A_93] : memref<5x!tpu.dma_semaphore, #tpu.memory_space<semaphore_mem>> -> memref<1x!tpu.dma_semaphore, #tpu.memory_space<semaphore_mem>>
    %dma_start3A_102 = tpu.memref_squeeze %dma_start3A_101 : memref<1x!tpu.dma_semaphore, #tpu.memory_space<semaphore_mem>> -> memref<!tpu.dma_semaphore, #tpu.memory_space<semaphore_mem>>
    %dma_start3A_103 = arith.constant 0 : i32
    %dma_start3A_104 = tpu.memref_slice %arg4[%dma_start3A_92, %mul3A_2, %dma_start3A_103] : memref<50x4096x128xf32, #tpu.memory_space<hbm>> -> memref<1x128x128xf32, #tpu.memory_space<hbm>>
    %dma_start3A_105 = tpu.memref_squeeze %dma_start3A_104 : memref<1x128x128xf32, #tpu.memory_space<hbm>> -> memref<128x128xf32, #tpu.memory_space<hbm>>
    %dma_start3A_106 = arith.constant 0 : i32
    %dma_start3A_107 = arith.constant 0 : i32
    %dma_start3A_108 = tpu.memref_slice %arg6[%dma_start3A_91, %dma_start3A_106, %dma_start3A_107] : memref<5x128x128xf32, #tpu.memory_space<vmem>> -> memref<1x128x128xf32, #tpu.memory_space<vmem>>
    %dma_start3A_109 = tpu.memref_squeeze %dma_start3A_108 : memref<1x128x128xf32, #tpu.memory_space<vmem>> -> memref<128x128xf32, #tpu.memory_space<vmem>>
    tpu.enqueue_dma source(%dma_start3A_109 : memref<128x128xf32, #tpu.memory_space<vmem>>) target(%dma_start3A_105 : memref<128x128xf32, #tpu.memory_space<hbm>>) target_semaphore(%dma_start3A_102 : memref<!tpu.dma_semaphore, #tpu.memory_space<semaphore_mem>>)
    %scan3A = arith.constant 0 : i32
    %scan3A_110 = arith.constant 0 : i32
    %scan3A_111 = arith.constant 9 : i32
    %scan3A_112 = arith.addi %scan3A_110, %scan3A_111 : i32
    %scan3A_113 = arith.constant 1 : i32
    scf.for %scan3A_346 = %scan3A_110 to %scan3A_112 step %scan3A_113  : i32 {
      %mul3A_347 = arith.constant 5 : i32
      %mul3A_348 = arith.muli %scan3A_346, %mul3A_347 : i32
      %add3A_349 = arith.constant 0 : i32
      %add3A_350 = arith.addi %mul3A_348, %add3A_349 : i32
      %add3A_351 = arith.constant 1 : i32
      %add3A_352 = arith.addi %add3A_350, %add3A_351 : i32
      %jit3A = arith.constant 5 : i32
      %eq3A = arith.constant 0 : i32
      %eq3A_353 = arith.cmpi eq, %jit3A, %eq3A : i32
      %jit3A_354 = arith.constant 1 : i32
      %select_n3A = arith.select %eq3A_353, %jit3A_354, %jit3A : i32
      %rem3A = arith.remsi %add3A_352, %select_n3A : i32
      %ne3A = arith.constant 0 : i32
      %ne3A_355 = arith.cmpi ne, %rem3A, %ne3A : i32
      %lt3A = arith.constant 0 : i32
      %lt3A_356 = arith.cmpi slt, %rem3A, %lt3A : i32
      %lt3A_357 = arith.constant 0 : i32
      %lt3A_358 = arith.cmpi slt, %select_n3A, %lt3A_357 : i32
      %ne3A_359 = arith.xori %lt3A_356, %lt3A_358 : i1
      %and3A = arith.andi %ne3A_359, %ne3A_355 : i1
      %add3A_360 = arith.addi %rem3A, %select_n3A : i32
      %select_n3A_361 = arith.select %and3A, %add3A_360, %rem3A : i32
      %sub3A = arith.constant 1 : i32
      %sub3A_362 = arith.subi %add3A_352, %sub3A : i32
      %jit3A_363 = arith.constant 5 : i32
      %eq3A_364 = arith.constant 0 : i32
      %eq3A_365 = arith.cmpi eq, %jit3A_363, %eq3A_364 : i32
      %jit3A_366 = arith.constant 1 : i32
      %select_n3A_367 = arith.select %eq3A_365, %jit3A_366, %jit3A_363 : i32
      %rem3A_368 = arith.remsi %sub3A_362, %select_n3A_367 : i32
      %ne3A_369 = arith.constant 0 : i32
      %ne3A_370 = arith.cmpi ne, %rem3A_368, %ne3A_369 : i32
      %lt3A_371 = arith.constant 0 : i32
      %lt3A_372 = arith.cmpi slt, %rem3A_368, %lt3A_371 : i32
      %lt3A_373 = arith.constant 0 : i32
      %lt3A_374 = arith.cmpi slt, %select_n3A_367, %lt3A_373 : i32
      %ne3A_375 = arith.xori %lt3A_372, %lt3A_374 : i1
      %and3A_376 = arith.andi %ne3A_375, %ne3A_370 : i1
      %add3A_377 = arith.addi %rem3A_368, %select_n3A_367 : i32
      %select_n3A_378 = arith.select %and3A_376, %add3A_377, %rem3A_368 : i32
      %sub3A_379 = arith.constant 1 : i32
      %sub3A_380 = arith.subi %add3A_352, %sub3A_379 : i32
      %dma_wait3A_381 = arith.constant 0 : i32
      %dma_wait3A_382 = arith.constant 0 : i32
      %dma_wait3A_383 = tpu.memref_slice %arg6[%select_n3A_378, %dma_wait3A_381, %dma_wait3A_382] : memref<5x128x128xf32, #tpu.memory_space<vmem>> -> memref<1x128x128xf32, #tpu.memory_space<vmem>>
      %dma_wait3A_384 = tpu.memref_squeeze %dma_wait3A_383 : memref<1x128x128xf32, #tpu.memory_space<vmem>> -> memref<128x128xf32, #tpu.memory_space<vmem>>
      %dma_wait3A_385 = arith.constant 0 : i32
      %dma_wait3A_386 = tpu.memref_slice %arg4[%sub3A_380, %mul3A_2, %dma_wait3A_385] : memref<50x4096x128xf32, #tpu.memory_space<hbm>> -> memref<1x128x128xf32, #tpu.memory_space<hbm>>
      %dma_wait3A_387 = tpu.memref_squeeze %dma_wait3A_386 : memref<1x128x128xf32, #tpu.memory_space<hbm>> -> memref<128x128xf32, #tpu.memory_space<hbm>>
      %dma_wait3A_388 = tpu.memref_slice %arg8[%select_n3A_378] : memref<5x!tpu.dma_semaphore, #tpu.memory_space<semaphore_mem>> -> memref<1x!tpu.dma_semaphore, #tpu.memory_space<semaphore_mem>>
      %dma_wait3A_389 = tpu.memref_squeeze %dma_wait3A_388 : memref<1x!tpu.dma_semaphore, #tpu.memory_space<semaphore_mem>> -> memref<!tpu.dma_semaphore, #tpu.memory_space<semaphore_mem>>
      %dma_wait3A_390 = arith.constant 0 : i32
      %dma_wait3A_391 = tpu.memref_slice %arg4[%sub3A_380, %mul3A_2, %dma_wait3A_390] : memref<50x4096x128xf32, #tpu.memory_space<hbm>> -> memref<1x128x128xf32, #tpu.memory_space<hbm>>
      %dma_wait3A_392 = tpu.memref_squeeze %dma_wait3A_391 : memref<1x128x128xf32, #tpu.memory_space<hbm>> -> memref<128x128xf32, #tpu.memory_space<hbm>>
      %dma_wait3A_393 = arith.constant 0 : i32
      %dma_wait3A_394 = arith.constant 0 : i32
      %dma_wait3A_395 = tpu.memref_slice %arg6[%select_n3A_378, %dma_wait3A_393, %dma_wait3A_394] : memref<5x128x128xf32, #tpu.memory_space<vmem>> -> memref<1x128x128xf32, #tpu.memory_space<vmem>>
      %dma_wait3A_396 = tpu.memref_squeeze %dma_wait3A_395 : memref<1x128x128xf32, #tpu.memory_space<vmem>> -> memref<128x128xf32, #tpu.memory_space<vmem>>
      tpu.wait_dma2 semaphore(%dma_wait3A_389 : memref<!tpu.dma_semaphore, #tpu.memory_space<semaphore_mem>>) src(%dma_wait3A_396 : memref<128x128xf32, #tpu.memory_space<vmem>>) dst(%dma_wait3A_392 : memref<128x128xf32, #tpu.memory_space<hbm>>)
      %sub3A_397 = arith.constant 1 : i32
      %sub3A_398 = arith.subi %add3A_352, %sub3A_397 : i32
      %add3A_399 = arith.constant 5 : i32
      %add3A_400 = arith.addi %sub3A_398, %add3A_399 : i32
      %dma_start3A_401 = arith.constant 0 : i32
      %dma_start3A_402 = arith.constant 0 : i32
      %dma_start3A_403 = tpu.memref_slice %arg6[%select_n3A_378, %dma_start3A_401, %dma_start3A_402] : memref<5x128x128xf32, #tpu.memory_space<vmem>> -> memref<1x128x128xf32, #tpu.memory_space<vmem>>
      %dma_start3A_404 = tpu.memref_squeeze %dma_start3A_403 : memref<1x128x128xf32, #tpu.memory_space<vmem>> -> memref<128x128xf32, #tpu.memory_space<vmem>>
      %dma_start3A_405 = arith.constant 0 : i32
      %dma_start3A_406 = tpu.memref_slice %arg5[%add3A_400, %dma_start3A_405] : memref<50x128xi32, #tpu.memory_space<vmem>> -> memref<1x128xi32, #tpu.memory_space<vmem>>
      %dma_start3A_407 = tpu.memref_squeeze %dma_start3A_406 : memref<1x128xi32, #tpu.memory_space<vmem>> -> memref<128xi32, #tpu.memory_space<vmem>>
      %dma_start3A_408 = arith.constant 0 : i32
      %dma_start3A_409 = arith.constant 0 : i32
      %dma_start3A_410 = tpu.memref_slice %arg3[%dma_start3A_408, %dma_start3A_409] : memref<100000x128xf32, #tpu.memory_space<hbm>> -> memref<100000x128xf32, #tpu.memory_space<hbm>>
      %dma_start3A_411 = tpu.memref_slice %arg7[%select_n3A_378] : memref<5x!tpu.dma_semaphore, #tpu.memory_space<semaphore_mem>> -> memref<1x!tpu.dma_semaphore, #tpu.memory_space<semaphore_mem>>
      %dma_start3A_412 = tpu.memref_squeeze %dma_start3A_411 : memref<1x!tpu.dma_semaphore, #tpu.memory_space<semaphore_mem>> -> memref<!tpu.dma_semaphore, #tpu.memory_space<semaphore_mem>>
      tpu.enqueue_indirect_dma source(%dma_start3A_410 : memref<100000x128xf32, #tpu.memory_space<hbm>>) target(%dma_start3A_404 : memref<128x128xf32, #tpu.memory_space<vmem>>) offsets(%dma_start3A_407 : memref<128xi32, #tpu.memory_space<vmem>>) semaphore(%dma_start3A_412 : memref<!tpu.dma_semaphore, #tpu.memory_space<semaphore_mem>>)
      %dma_wait3A_413 = arith.constant 0 : i32
      %dma_wait3A_414 = arith.constant 0 : i32
      %dma_wait3A_415 = tpu.memref_slice %arg6[%select_n3A_361, %dma_wait3A_413, %dma_wait3A_414] : memref<5x128x128xf32, #tpu.memory_space<vmem>> -> memref<1x128x128xf32, #tpu.memory_space<vmem>>
      %dma_wait3A_416 = tpu.memref_squeeze %dma_wait3A_415 : memref<1x128x128xf32, #tpu.memory_space<vmem>> -> memref<128x128xf32, #tpu.memory_space<vmem>>
      %dma_wait3A_417 = arith.constant 0 : i32
      %dma_wait3A_418 = tpu.memref_slice %arg5[%add3A_352, %dma_wait3A_417] : memref<50x128xi32, #tpu.memory_space<vmem>> -> memref<1x128xi32, #tpu.memory_space<vmem>>
      %dma_wait3A_419 = tpu.memref_squeeze %dma_wait3A_418 : memref<1x128xi32, #tpu.memory_space<vmem>> -> memref<128xi32, #tpu.memory_space<vmem>>
      %dma_wait3A_420 = arith.constant 0 : i32
      %dma_wait3A_421 = arith.constant 0 : i32
      %dma_wait3A_422 = tpu.memref_slice %arg3[%dma_wait3A_420, %dma_wait3A_421] : memref<100000x128xf32, #tpu.memory_space<hbm>> -> memref<100000x128xf32, #tpu.memory_space<hbm>>
      %dma_wait3A_423 = tpu.memref_slice %arg7[%select_n3A_361] : memref<5x!tpu.dma_semaphore, #tpu.memory_space<semaphore_mem>> -> memref<1x!tpu.dma_semaphore, #tpu.memory_space<semaphore_mem>>
      %dma_wait3A_424 = tpu.memref_squeeze %dma_wait3A_423 : memref<1x!tpu.dma_semaphore, #tpu.memory_space<semaphore_mem>> -> memref<!tpu.dma_semaphore, #tpu.memory_space<semaphore_mem>>
      tpu.wait_indirect_dma semaphore(%dma_wait3A_424 : memref<!tpu.dma_semaphore, #tpu.memory_space<semaphore_mem>>) src(%dma_wait3A_422 : memref<100000x128xf32, #tpu.memory_space<hbm>>) dst(%dma_wait3A_416 : memref<128x128xf32, #tpu.memory_space<vmem>>)
      %dma_start3A_425 = arith.constant 0 : i32
      %dma_start3A_426 = arith.constant 0 : i32
      %dma_start3A_427 = tpu.memref_slice %arg6[%select_n3A_361, %dma_start3A_425, %dma_start3A_426] : memref<5x128x128xf32, #tpu.memory_space<vmem>> -> memref<1x128x128xf32, #tpu.memory_space<vmem>>
      %dma_start3A_428 = tpu.memref_squeeze %dma_start3A_427 : memref<1x128x128xf32, #tpu.memory_space<vmem>> -> memref<128x128xf32, #tpu.memory_space<vmem>>
      %dma_start3A_429 = arith.constant 0 : i32
      %dma_start3A_430 = tpu.memref_slice %arg4[%add3A_352, %mul3A_2, %dma_start3A_429] : memref<50x4096x128xf32, #tpu.memory_space<hbm>> -> memref<1x128x128xf32, #tpu.memory_space<hbm>>
      %dma_start3A_431 = tpu.memref_squeeze %dma_start3A_430 : memref<1x128x128xf32, #tpu.memory_space<hbm>> -> memref<128x128xf32, #tpu.memory_space<hbm>>
      %dma_start3A_432 = tpu.memref_slice %arg8[%select_n3A_361] : memref<5x!tpu.dma_semaphore, #tpu.memory_space<semaphore_mem>> -> memref<1x!tpu.dma_semaphore, #tpu.memory_space<semaphore_mem>>
      %dma_start3A_433 = tpu.memref_squeeze %dma_start3A_432 : memref<1x!tpu.dma_semaphore, #tpu.memory_space<semaphore_mem>> -> memref<!tpu.dma_semaphore, #tpu.memory_space<semaphore_mem>>
      %dma_start3A_434 = arith.constant 0 : i32
      %dma_start3A_435 = tpu.memref_slice %arg4[%add3A_352, %mul3A_2, %dma_start3A_434] : memref<50x4096x128xf32, #tpu.memory_space<hbm>> -> memref<1x128x128xf32, #tpu.memory_space<hbm>>
      %dma_start3A_436 = tpu.memref_squeeze %dma_start3A_435 : memref<1x128x128xf32, #tpu.memory_space<hbm>> -> memref<128x128xf32, #tpu.memory_space<hbm>>
      %dma_start3A_437 = arith.constant 0 : i32
      %dma_start3A_438 = arith.constant 0 : i32
      %dma_start3A_439 = tpu.memref_slice %arg6[%select_n3A_361, %dma_start3A_437, %dma_start3A_438] : memref<5x128x128xf32, #tpu.memory_space<vmem>> -> memref<1x128x128xf32, #tpu.memory_space<vmem>>
      %dma_start3A_440 = tpu.memref_squeeze %dma_start3A_439 : memref<1x128x128xf32, #tpu.memory_space<vmem>> -> memref<128x128xf32, #tpu.memory_space<vmem>>
      tpu.enqueue_dma source(%dma_start3A_440 : memref<128x128xf32, #tpu.memory_space<vmem>>) target(%dma_start3A_436 : memref<128x128xf32, #tpu.memory_space<hbm>>) target_semaphore(%dma_start3A_433 : memref<!tpu.dma_semaphore, #tpu.memory_space<semaphore_mem>>)
      %mul3A_441 = arith.constant 5 : i32
      %mul3A_442 = arith.muli %scan3A_346, %mul3A_441 : i32
      %add3A_443 = arith.constant 1 : i32
      %add3A_444 = arith.addi %mul3A_442, %add3A_443 : i32
      %add3A_445 = arith.constant 1 : i32
      %add3A_446 = arith.addi %add3A_444, %add3A_445 : i32
      %jit3A_447 = arith.constant 5 : i32
      %eq3A_448 = arith.constant 0 : i32
      %eq3A_449 = arith.cmpi eq, %jit3A_447, %eq3A_448 : i32
      %jit3A_450 = arith.constant 1 : i32
      %select_n3A_451 = arith.select %eq3A_449, %jit3A_450, %jit3A_447 : i32
      %rem3A_452 = arith.remsi %add3A_446, %select_n3A_451 : i32
      %ne3A_453 = arith.constant 0 : i32
      %ne3A_454 = arith.cmpi ne, %rem3A_452, %ne3A_453 : i32
      %lt3A_455 = arith.constant 0 : i32
      %lt3A_456 = arith.cmpi slt, %rem3A_452, %lt3A_455 : i32
      %lt3A_457 = arith.constant 0 : i32
      %lt3A_458 = arith.cmpi slt, %select_n3A_451, %lt3A_457 : i32
      %ne3A_459 = arith.xori %lt3A_456, %lt3A_458 : i1
      %and3A_460 = arith.andi %ne3A_459, %ne3A_454 : i1
      %add3A_461 = arith.addi %rem3A_452, %select_n3A_451 : i32
      %select_n3A_462 = arith.select %and3A_460, %add3A_461, %rem3A_452 : i32
      %sub3A_463 = arith.constant 1 : i32
      %sub3A_464 = arith.subi %add3A_446, %sub3A_463 : i32
      %jit3A_465 = arith.constant 5 : i32
      %eq3A_466 = arith.constant 0 : i32
      %eq3A_467 = arith.cmpi eq, %jit3A_465, %eq3A_466 : i32
      %jit3A_468 = arith.constant 1 : i32
      %select_n3A_469 = arith.select %eq3A_467, %jit3A_468, %jit3A_465 : i32
      %rem3A_470 = arith.remsi %sub3A_464, %select_n3A_469 : i32
      %ne3A_471 = arith.constant 0 : i32
      %ne3A_472 = arith.cmpi ne, %rem3A_470, %ne3A_471 : i32
      %lt3A_473 = arith.constant 0 : i32
      %lt3A_474 = arith.cmpi slt, %rem3A_470, %lt3A_473 : i32
      %lt3A_475 = arith.constant 0 : i32
      %lt3A_476 = arith.cmpi slt, %select_n3A_469, %lt3A_475 : i32
      %ne3A_477 = arith.xori %lt3A_474, %lt3A_476 : i1
      %and3A_478 = arith.andi %ne3A_477, %ne3A_472 : i1
      %add3A_479 = arith.addi %rem3A_470, %select_n3A_469 : i32
      %select_n3A_480 = arith.select %and3A_478, %add3A_479, %rem3A_470 : i32
      %sub3A_481 = arith.constant 1 : i32
      %sub3A_482 = arith.subi %add3A_446, %sub3A_481 : i32
      %dma_wait3A_483 = arith.constant 0 : i32
      %dma_wait3A_484 = arith.constant 0 : i32
      %dma_wait3A_485 = tpu.memref_slice %arg6[%select_n3A_480, %dma_wait3A_483, %dma_wait3A_484] : memref<5x128x128xf32, #tpu.memory_space<vmem>> -> memref<1x128x128xf32, #tpu.memory_space<vmem>>
      %dma_wait3A_486 = tpu.memref_squeeze %dma_wait3A_485 : memref<1x128x128xf32, #tpu.memory_space<vmem>> -> memref<128x128xf32, #tpu.memory_space<vmem>>
      %dma_wait3A_487 = arith.constant 0 : i32
      %dma_wait3A_488 = tpu.memref_slice %arg4[%sub3A_482, %mul3A_2, %dma_wait3A_487] : memref<50x4096x128xf32, #tpu.memory_space<hbm>> -> memref<1x128x128xf32, #tpu.memory_space<hbm>>
      %dma_wait3A_489 = tpu.memref_squeeze %dma_wait3A_488 : memref<1x128x128xf32, #tpu.memory_space<hbm>> -> memref<128x128xf32, #tpu.memory_space<hbm>>
      %dma_wait3A_490 = tpu.memref_slice %arg8[%select_n3A_480] : memref<5x!tpu.dma_semaphore, #tpu.memory_space<semaphore_mem>> -> memref<1x!tpu.dma_semaphore, #tpu.memory_space<semaphore_mem>>
      %dma_wait3A_491 = tpu.memref_squeeze %dma_wait3A_490 : memref<1x!tpu.dma_semaphore, #tpu.memory_space<semaphore_mem>> -> memref<!tpu.dma_semaphore, #tpu.memory_space<semaphore_mem>>
      %dma_wait3A_492 = arith.constant 0 : i32
      %dma_wait3A_493 = tpu.memref_slice %arg4[%sub3A_482, %mul3A_2, %dma_wait3A_492] : memref<50x4096x128xf32, #tpu.memory_space<hbm>> -> memref<1x128x128xf32, #tpu.memory_space<hbm>>
      %dma_wait3A_494 = tpu.memref_squeeze %dma_wait3A_493 : memref<1x128x128xf32, #tpu.memory_space<hbm>> -> memref<128x128xf32, #tpu.memory_space<hbm>>
      %dma_wait3A_495 = arith.constant 0 : i32
      %dma_wait3A_496 = arith.constant 0 : i32
      %dma_wait3A_497 = tpu.memref_slice %arg6[%select_n3A_480, %dma_wait3A_495, %dma_wait3A_496] : memref<5x128x128xf32, #tpu.memory_space<vmem>> -> memref<1x128x128xf32, #tpu.memory_space<vmem>>
      %dma_wait3A_498 = tpu.memref_squeeze %dma_wait3A_497 : memref<1x128x128xf32, #tpu.memory_space<vmem>> -> memref<128x128xf32, #tpu.memory_space<vmem>>
      tpu.wait_dma2 semaphore(%dma_wait3A_491 : memref<!tpu.dma_semaphore, #tpu.memory_space<semaphore_mem>>) src(%dma_wait3A_498 : memref<128x128xf32, #tpu.memory_space<vmem>>) dst(%dma_wait3A_494 : memref<128x128xf32, #tpu.memory_space<hbm>>)
      %sub3A_499 = arith.constant 1 : i32
      %sub3A_500 = arith.subi %add3A_446, %sub3A_499 : i32
      %add3A_501 = arith.constant 5 : i32
      %add3A_502 = arith.addi %sub3A_500, %add3A_501 : i32
      %dma_start3A_503 = arith.constant 0 : i32
      %dma_start3A_504 = arith.constant 0 : i32
      %dma_start3A_505 = tpu.memref_slice %arg6[%select_n3A_480, %dma_start3A_503, %dma_start3A_504] : memref<5x128x128xf32, #tpu.memory_space<vmem>> -> memref<1x128x128xf32, #tpu.memory_space<vmem>>
      %dma_start3A_506 = tpu.memref_squeeze %dma_start3A_505 : memref<1x128x128xf32, #tpu.memory_space<vmem>> -> memref<128x128xf32, #tpu.memory_space<vmem>>
      %dma_start3A_507 = arith.constant 0 : i32
      %dma_start3A_508 = tpu.memref_slice %arg5[%add3A_502, %dma_start3A_507] : memref<50x128xi32, #tpu.memory_space<vmem>> -> memref<1x128xi32, #tpu.memory_space<vmem>>
      %dma_start3A_509 = tpu.memref_squeeze %dma_start3A_508 : memref<1x128xi32, #tpu.memory_space<vmem>> -> memref<128xi32, #tpu.memory_space<vmem>>
      %dma_start3A_510 = arith.constant 0 : i32
      %dma_start3A_511 = arith.constant 0 : i32
      %dma_start3A_512 = tpu.memref_slice %arg3[%dma_start3A_510, %dma_start3A_511] : memref<100000x128xf32, #tpu.memory_space<hbm>> -> memref<100000x128xf32, #tpu.memory_space<hbm>>
      %dma_start3A_513 = tpu.memref_slice %arg7[%select_n3A_480] : memref<5x!tpu.dma_semaphore, #tpu.memory_space<semaphore_mem>> -> memref<1x!tpu.dma_semaphore, #tpu.memory_space<semaphore_mem>>
      %dma_start3A_514 = tpu.memref_squeeze %dma_start3A_513 : memref<1x!tpu.dma_semaphore, #tpu.memory_space<semaphore_mem>> -> memref<!tpu.dma_semaphore, #tpu.memory_space<semaphore_mem>>
      tpu.enqueue_indirect_dma source(%dma_start3A_512 : memref<100000x128xf32, #tpu.memory_space<hbm>>) target(%dma_start3A_506 : memref<128x128xf32, #tpu.memory_space<vmem>>) offsets(%dma_start3A_509 : memref<128xi32, #tpu.memory_space<vmem>>) semaphore(%dma_start3A_514 : memref<!tpu.dma_semaphore, #tpu.memory_space<semaphore_mem>>)
      %dma_wait3A_515 = arith.constant 0 : i32
      %dma_wait3A_516 = arith.constant 0 : i32
      %dma_wait3A_517 = tpu.memref_slice %arg6[%select_n3A_462, %dma_wait3A_515, %dma_wait3A_516] : memref<5x128x128xf32, #tpu.memory_space<vmem>> -> memref<1x128x128xf32, #tpu.memory_space<vmem>>
      %dma_wait3A_518 = tpu.memref_squeeze %dma_wait3A_517 : memref<1x128x128xf32, #tpu.memory_space<vmem>> -> memref<128x128xf32, #tpu.memory_space<vmem>>
      %dma_wait3A_519 = arith.constant 0 : i32
      %dma_wait3A_520 = tpu.memref_slice %arg5[%add3A_446, %dma_wait3A_519] : memref<50x128xi32, #tpu.memory_space<vmem>> -> memref<1x128xi32, #tpu.memory_space<vmem>>
      %dma_wait3A_521 = tpu.memref_squeeze %dma_wait3A_520 : memref<1x128xi32, #tpu.memory_space<vmem>> -> memref<128xi32, #tpu.memory_space<vmem>>
      %dma_wait3A_522 = arith.constant 0 : i32
      %dma_wait3A_523 = arith.constant 0 : i32
      %dma_wait3A_524 = tpu.memref_slice %arg3[%dma_wait3A_522, %dma_wait3A_523] : memref<100000x128xf32, #tpu.memory_space<hbm>> -> memref<100000x128xf32, #tpu.memory_space<hbm>>
      %dma_wait3A_525 = tpu.memref_slice %arg7[%select_n3A_462] : memref<5x!tpu.dma_semaphore, #tpu.memory_space<semaphore_mem>> -> memref<1x!tpu.dma_semaphore, #tpu.memory_space<semaphore_mem>>
      %dma_wait3A_526 = tpu.memref_squeeze %dma_wait3A_525 : memref<1x!tpu.dma_semaphore, #tpu.memory_space<semaphore_mem>> -> memref<!tpu.dma_semaphore, #tpu.memory_space<semaphore_mem>>
      tpu.wait_indirect_dma semaphore(%dma_wait3A_526 : memref<!tpu.dma_semaphore, #tpu.memory_space<semaphore_mem>>) src(%dma_wait3A_524 : memref<100000x128xf32, #tpu.memory_space<hbm>>) dst(%dma_wait3A_518 : memref<128x128xf32, #tpu.memory_space<vmem>>)
      %dma_start3A_527 = arith.constant 0 : i32
      %dma_start3A_528 = arith.constant 0 : i32
      %dma_start3A_529 = tpu.memref_slice %arg6[%select_n3A_462, %dma_start3A_527, %dma_start3A_528] : memref<5x128x128xf32, #tpu.memory_space<vmem>> -> memref<1x128x128xf32, #tpu.memory_space<vmem>>
      %dma_start3A_530 = tpu.memref_squeeze %dma_start3A_529 : memref<1x128x128xf32, #tpu.memory_space<vmem>> -> memref<128x128xf32, #tpu.memory_space<vmem>>
      %dma_start3A_531 = arith.constant 0 : i32
      %dma_start3A_532 = tpu.memref_slice %arg4[%add3A_446, %mul3A_2, %dma_start3A_531] : memref<50x4096x128xf32, #tpu.memory_space<hbm>> -> memref<1x128x128xf32, #tpu.memory_space<hbm>>
      %dma_start3A_533 = tpu.memref_squeeze %dma_start3A_532 : memref<1x128x128xf32, #tpu.memory_space<hbm>> -> memref<128x128xf32, #tpu.memory_space<hbm>>
      %dma_start3A_534 = tpu.memref_slice %arg8[%select_n3A_462] : memref<5x!tpu.dma_semaphore, #tpu.memory_space<semaphore_mem>> -> memref<1x!tpu.dma_semaphore, #tpu.memory_space<semaphore_mem>>
      %dma_start3A_535 = tpu.memref_squeeze %dma_start3A_534 : memref<1x!tpu.dma_semaphore, #tpu.memory_space<semaphore_mem>> -> memref<!tpu.dma_semaphore, #tpu.memory_space<semaphore_mem>>
      %dma_start3A_536 = arith.constant 0 : i32
      %dma_start3A_537 = tpu.memref_slice %arg4[%add3A_446, %mul3A_2, %dma_start3A_536] : memref<50x4096x128xf32, #tpu.memory_space<hbm>> -> memref<1x128x128xf32, #tpu.memory_space<hbm>>
      %dma_start3A_538 = tpu.memref_squeeze %dma_start3A_537 : memref<1x128x128xf32, #tpu.memory_space<hbm>> -> memref<128x128xf32, #tpu.memory_space<hbm>>
      %dma_start3A_539 = arith.constant 0 : i32
      %dma_start3A_540 = arith.constant 0 : i32
      %dma_start3A_541 = tpu.memref_slice %arg6[%select_n3A_462, %dma_start3A_539, %dma_start3A_540] : memref<5x128x128xf32, #tpu.memory_space<vmem>> -> memref<1x128x128xf32, #tpu.memory_space<vmem>>
      %dma_start3A_542 = tpu.memref_squeeze %dma_start3A_541 : memref<1x128x128xf32, #tpu.memory_space<vmem>> -> memref<128x128xf32, #tpu.memory_space<vmem>>
      tpu.enqueue_dma source(%dma_start3A_542 : memref<128x128xf32, #tpu.memory_space<vmem>>) target(%dma_start3A_538 : memref<128x128xf32, #tpu.memory_space<hbm>>) target_semaphore(%dma_start3A_535 : memref<!tpu.dma_semaphore, #tpu.memory_space<semaphore_mem>>)
      %mul3A_543 = arith.constant 5 : i32
      %mul3A_544 = arith.muli %scan3A_346, %mul3A_543 : i32
      %add3A_545 = arith.constant 2 : i32
      %add3A_546 = arith.addi %mul3A_544, %add3A_545 : i32
      %add3A_547 = arith.constant 1 : i32
      %add3A_548 = arith.addi %add3A_546, %add3A_547 : i32
      %jit3A_549 = arith.constant 5 : i32
      %eq3A_550 = arith.constant 0 : i32
      %eq3A_551 = arith.cmpi eq, %jit3A_549, %eq3A_550 : i32
      %jit3A_552 = arith.constant 1 : i32
      %select_n3A_553 = arith.select %eq3A_551, %jit3A_552, %jit3A_549 : i32
      %rem3A_554 = arith.remsi %add3A_548, %select_n3A_553 : i32
      %ne3A_555 = arith.constant 0 : i32
      %ne3A_556 = arith.cmpi ne, %rem3A_554, %ne3A_555 : i32
      %lt3A_557 = arith.constant 0 : i32
      %lt3A_558 = arith.cmpi slt, %rem3A_554, %lt3A_557 : i32
      %lt3A_559 = arith.constant 0 : i32
      %lt3A_560 = arith.cmpi slt, %select_n3A_553, %lt3A_559 : i32
      %ne3A_561 = arith.xori %lt3A_558, %lt3A_560 : i1
      %and3A_562 = arith.andi %ne3A_561, %ne3A_556 : i1
      %add3A_563 = arith.addi %rem3A_554, %select_n3A_553 : i32
      %select_n3A_564 = arith.select %and3A_562, %add3A_563, %rem3A_554 : i32
      %sub3A_565 = arith.constant 1 : i32
      %sub3A_566 = arith.subi %add3A_548, %sub3A_565 : i32
      %jit3A_567 = arith.constant 5 : i32
      %eq3A_568 = arith.constant 0 : i32
      %eq3A_569 = arith.cmpi eq, %jit3A_567, %eq3A_568 : i32
      %jit3A_570 = arith.constant 1 : i32
      %select_n3A_571 = arith.select %eq3A_569, %jit3A_570, %jit3A_567 : i32
      %rem3A_572 = arith.remsi %sub3A_566, %select_n3A_571 : i32
      %ne3A_573 = arith.constant 0 : i32
      %ne3A_574 = arith.cmpi ne, %rem3A_572, %ne3A_573 : i32
      %lt3A_575 = arith.constant 0 : i32
      %lt3A_576 = arith.cmpi slt, %rem3A_572, %lt3A_575 : i32
      %lt3A_577 = arith.constant 0 : i32
      %lt3A_578 = arith.cmpi slt, %select_n3A_571, %lt3A_577 : i32
      %ne3A_579 = arith.xori %lt3A_576, %lt3A_578 : i1
      %and3A_580 = arith.andi %ne3A_579, %ne3A_574 : i1
      %add3A_581 = arith.addi %rem3A_572, %select_n3A_571 : i32
      %select_n3A_582 = arith.select %and3A_580, %add3A_581, %rem3A_572 : i32
      %sub3A_583 = arith.constant 1 : i32
      %sub3A_584 = arith.subi %add3A_548, %sub3A_583 : i32
      %dma_wait3A_585 = arith.constant 0 : i32
      %dma_wait3A_586 = arith.constant 0 : i32
      %dma_wait3A_587 = tpu.memref_slice %arg6[%select_n3A_582, %dma_wait3A_585, %dma_wait3A_586] : memref<5x128x128xf32, #tpu.memory_space<vmem>> -> memref<1x128x128xf32, #tpu.memory_space<vmem>>
      %dma_wait3A_588 = tpu.memref_squeeze %dma_wait3A_587 : memref<1x128x128xf32, #tpu.memory_space<vmem>> -> memref<128x128xf32, #tpu.memory_space<vmem>>
      %dma_wait3A_589 = arith.constant 0 : i32
      %dma_wait3A_590 = tpu.memref_slice %arg4[%sub3A_584, %mul3A_2, %dma_wait3A_589] : memref<50x4096x128xf32, #tpu.memory_space<hbm>> -> memref<1x128x128xf32, #tpu.memory_space<hbm>>
      %dma_wait3A_591 = tpu.memref_squeeze %dma_wait3A_590 : memref<1x128x128xf32, #tpu.memory_space<hbm>> -> memref<128x128xf32, #tpu.memory_space<hbm>>
      %dma_wait3A_592 = tpu.memref_slice %arg8[%select_n3A_582] : memref<5x!tpu.dma_semaphore, #tpu.memory_space<semaphore_mem>> -> memref<1x!tpu.dma_semaphore, #tpu.memory_space<semaphore_mem>>
      %dma_wait3A_593 = tpu.memref_squeeze %dma_wait3A_592 : memref<1x!tpu.dma_semaphore, #tpu.memory_space<semaphore_mem>> -> memref<!tpu.dma_semaphore, #tpu.memory_space<semaphore_mem>>
      %dma_wait3A_594 = arith.constant 0 : i32
      %dma_wait3A_595 = tpu.memref_slice %arg4[%sub3A_584, %mul3A_2, %dma_wait3A_594] : memref<50x4096x128xf32, #tpu.memory_space<hbm>> -> memref<1x128x128xf32, #tpu.memory_space<hbm>>
      %dma_wait3A_596 = tpu.memref_squeeze %dma_wait3A_595 : memref<1x128x128xf32, #tpu.memory_space<hbm>> -> memref<128x128xf32, #tpu.memory_space<hbm>>
      %dma_wait3A_597 = arith.constant 0 : i32
      %dma_wait3A_598 = arith.constant 0 : i32
      %dma_wait3A_599 = tpu.memref_slice %arg6[%select_n3A_582, %dma_wait3A_597, %dma_wait3A_598] : memref<5x128x128xf32, #tpu.memory_space<vmem>> -> memref<1x128x128xf32, #tpu.memory_space<vmem>>
      %dma_wait3A_600 = tpu.memref_squeeze %dma_wait3A_599 : memref<1x128x128xf32, #tpu.memory_space<vmem>> -> memref<128x128xf32, #tpu.memory_space<vmem>>
      tpu.wait_dma2 semaphore(%dma_wait3A_593 : memref<!tpu.dma_semaphore, #tpu.memory_space<semaphore_mem>>) src(%dma_wait3A_600 : memref<128x128xf32, #tpu.memory_space<vmem>>) dst(%dma_wait3A_596 : memref<128x128xf32, #tpu.memory_space<hbm>>)
      %sub3A_601 = arith.constant 1 : i32
      %sub3A_602 = arith.subi %add3A_548, %sub3A_601 : i32
      %add3A_603 = arith.constant 5 : i32
      %add3A_604 = arith.addi %sub3A_602, %add3A_603 : i32
      %dma_start3A_605 = arith.constant 0 : i32
      %dma_start3A_606 = arith.constant 0 : i32
      %dma_start3A_607 = tpu.memref_slice %arg6[%select_n3A_582, %dma_start3A_605, %dma_start3A_606] : memref<5x128x128xf32, #tpu.memory_space<vmem>> -> memref<1x128x128xf32, #tpu.memory_space<vmem>>
      %dma_start3A_608 = tpu.memref_squeeze %dma_start3A_607 : memref<1x128x128xf32, #tpu.memory_space<vmem>> -> memref<128x128xf32, #tpu.memory_space<vmem>>
      %dma_start3A_609 = arith.constant 0 : i32
      %dma_start3A_610 = tpu.memref_slice %arg5[%add3A_604, %dma_start3A_609] : memref<50x128xi32, #tpu.memory_space<vmem>> -> memref<1x128xi32, #tpu.memory_space<vmem>>
      %dma_start3A_611 = tpu.memref_squeeze %dma_start3A_610 : memref<1x128xi32, #tpu.memory_space<vmem>> -> memref<128xi32, #tpu.memory_space<vmem>>
      %dma_start3A_612 = arith.constant 0 : i32
      %dma_start3A_613 = arith.constant 0 : i32
      %dma_start3A_614 = tpu.memref_slice %arg3[%dma_start3A_612, %dma_start3A_613] : memref<100000x128xf32, #tpu.memory_space<hbm>> -> memref<100000x128xf32, #tpu.memory_space<hbm>>
      %dma_start3A_615 = tpu.memref_slice %arg7[%select_n3A_582] : memref<5x!tpu.dma_semaphore, #tpu.memory_space<semaphore_mem>> -> memref<1x!tpu.dma_semaphore, #tpu.memory_space<semaphore_mem>>
      %dma_start3A_616 = tpu.memref_squeeze %dma_start3A_615 : memref<1x!tpu.dma_semaphore, #tpu.memory_space<semaphore_mem>> -> memref<!tpu.dma_semaphore, #tpu.memory_space<semaphore_mem>>
      tpu.enqueue_indirect_dma source(%dma_start3A_614 : memref<100000x128xf32, #tpu.memory_space<hbm>>) target(%dma_start3A_608 : memref<128x128xf32, #tpu.memory_space<vmem>>) offsets(%dma_start3A_611 : memref<128xi32, #tpu.memory_space<vmem>>) semaphore(%dma_start3A_616 : memref<!tpu.dma_semaphore, #tpu.memory_space<semaphore_mem>>)
      %dma_wait3A_617 = arith.constant 0 : i32
      %dma_wait3A_618 = arith.constant 0 : i32
      %dma_wait3A_619 = tpu.memref_slice %arg6[%select_n3A_564, %dma_wait3A_617, %dma_wait3A_618] : memref<5x128x128xf32, #tpu.memory_space<vmem>> -> memref<1x128x128xf32, #tpu.memory_space<vmem>>
      %dma_wait3A_620 = tpu.memref_squeeze %dma_wait3A_619 : memref<1x128x128xf32, #tpu.memory_space<vmem>> -> memref<128x128xf32, #tpu.memory_space<vmem>>
      %dma_wait3A_621 = arith.constant 0 : i32
      %dma_wait3A_622 = tpu.memref_slice %arg5[%add3A_548, %dma_wait3A_621] : memref<50x128xi32, #tpu.memory_space<vmem>> -> memref<1x128xi32, #tpu.memory_space<vmem>>
      %dma_wait3A_623 = tpu.memref_squeeze %dma_wait3A_622 : memref<1x128xi32, #tpu.memory_space<vmem>> -> memref<128xi32, #tpu.memory_space<vmem>>
      %dma_wait3A_624 = arith.constant 0 : i32
      %dma_wait3A_625 = arith.constant 0 : i32
      %dma_wait3A_626 = tpu.memref_slice %arg3[%dma_wait3A_624, %dma_wait3A_625] : memref<100000x128xf32, #tpu.memory_space<hbm>> -> memref<100000x128xf32, #tpu.memory_space<hbm>>
      %dma_wait3A_627 = tpu.memref_slice %arg7[%select_n3A_564] : memref<5x!tpu.dma_semaphore, #tpu.memory_space<semaphore_mem>> -> memref<1x!tpu.dma_semaphore, #tpu.memory_space<semaphore_mem>>
      %dma_wait3A_628 = tpu.memref_squeeze %dma_wait3A_627 : memref<1x!tpu.dma_semaphore, #tpu.memory_space<semaphore_mem>> -> memref<!tpu.dma_semaphore, #tpu.memory_space<semaphore_mem>>
      tpu.wait_indirect_dma semaphore(%dma_wait3A_628 : memref<!tpu.dma_semaphore, #tpu.memory_space<semaphore_mem>>) src(%dma_wait3A_626 : memref<100000x128xf32, #tpu.memory_space<hbm>>) dst(%dma_wait3A_620 : memref<128x128xf32, #tpu.memory_space<vmem>>)
      %dma_start3A_629 = arith.constant 0 : i32
      %dma_start3A_630 = arith.constant 0 : i32
      %dma_start3A_631 = tpu.memref_slice %arg6[%select_n3A_564, %dma_start3A_629, %dma_start3A_630] : memref<5x128x128xf32, #tpu.memory_space<vmem>> -> memref<1x128x128xf32, #tpu.memory_space<vmem>>
      %dma_start3A_632 = tpu.memref_squeeze %dma_start3A_631 : memref<1x128x128xf32, #tpu.memory_space<vmem>> -> memref<128x128xf32, #tpu.memory_space<vmem>>
      %dma_start3A_633 = arith.constant 0 : i32
      %dma_start3A_634 = tpu.memref_slice %arg4[%add3A_548, %mul3A_2, %dma_start3A_633] : memref<50x4096x128xf32, #tpu.memory_space<hbm>> -> memref<1x128x128xf32, #tpu.memory_space<hbm>>
      %dma_start3A_635 = tpu.memref_squeeze %dma_start3A_634 : memref<1x128x128xf32, #tpu.memory_space<hbm>> -> memref<128x128xf32, #tpu.memory_space<hbm>>
      %dma_start3A_636 = tpu.memref_slice %arg8[%select_n3A_564] : memref<5x!tpu.dma_semaphore, #tpu.memory_space<semaphore_mem>> -> memref<1x!tpu.dma_semaphore, #tpu.memory_space<semaphore_mem>>
      %dma_start3A_637 = tpu.memref_squeeze %dma_start3A_636 : memref<1x!tpu.dma_semaphore, #tpu.memory_space<semaphore_mem>> -> memref<!tpu.dma_semaphore, #tpu.memory_space<semaphore_mem>>
      %dma_start3A_638 = arith.constant 0 : i32
      %dma_start3A_639 = tpu.memref_slice %arg4[%add3A_548, %mul3A_2, %dma_start3A_638] : memref<50x4096x128xf32, #tpu.memory_space<hbm>> -> memref<1x128x128xf32, #tpu.memory_space<hbm>>
      %dma_start3A_640 = tpu.memref_squeeze %dma_start3A_639 : memref<1x128x128xf32, #tpu.memory_space<hbm>> -> memref<128x128xf32, #tpu.memory_space<hbm>>
      %dma_start3A_641 = arith.constant 0 : i32
      %dma_start3A_642 = arith.constant 0 : i32
      %dma_start3A_643 = tpu.memref_slice %arg6[%select_n3A_564, %dma_start3A_641, %dma_start3A_642] : memref<5x128x128xf32, #tpu.memory_space<vmem>> -> memref<1x128x128xf32, #tpu.memory_space<vmem>>
      %dma_start3A_644 = tpu.memref_squeeze %dma_start3A_643 : memref<1x128x128xf32, #tpu.memory_space<vmem>> -> memref<128x128xf32, #tpu.memory_space<vmem>>
      tpu.enqueue_dma source(%dma_start3A_644 : memref<128x128xf32, #tpu.memory_space<vmem>>) target(%dma_start3A_640 : memref<128x128xf32, #tpu.memory_space<hbm>>) target_semaphore(%dma_start3A_637 : memref<!tpu.dma_semaphore, #tpu.memory_space<semaphore_mem>>)
      %mul3A_645 = arith.constant 5 : i32
      %mul3A_646 = arith.muli %scan3A_346, %mul3A_645 : i32
      %add3A_647 = arith.constant 3 : i32
      %add3A_648 = arith.addi %mul3A_646, %add3A_647 : i32
      %add3A_649 = arith.constant 1 : i32
      %add3A_650 = arith.addi %add3A_648, %add3A_649 : i32
      %jit3A_651 = arith.constant 5 : i32
      %eq3A_652 = arith.constant 0 : i32
      %eq3A_653 = arith.cmpi eq, %jit3A_651, %eq3A_652 : i32
      %jit3A_654 = arith.constant 1 : i32
      %select_n3A_655 = arith.select %eq3A_653, %jit3A_654, %jit3A_651 : i32
      %rem3A_656 = arith.remsi %add3A_650, %select_n3A_655 : i32
      %ne3A_657 = arith.constant 0 : i32
      %ne3A_658 = arith.cmpi ne, %rem3A_656, %ne3A_657 : i32
      %lt3A_659 = arith.constant 0 : i32
      %lt3A_660 = arith.cmpi slt, %rem3A_656, %lt3A_659 : i32
      %lt3A_661 = arith.constant 0 : i32
      %lt3A_662 = arith.cmpi slt, %select_n3A_655, %lt3A_661 : i32
      %ne3A_663 = arith.xori %lt3A_660, %lt3A_662 : i1
      %and3A_664 = arith.andi %ne3A_663, %ne3A_658 : i1
      %add3A_665 = arith.addi %rem3A_656, %select_n3A_655 : i32
      %select_n3A_666 = arith.select %and3A_664, %add3A_665, %rem3A_656 : i32
      %sub3A_667 = arith.constant 1 : i32
      %sub3A_668 = arith.subi %add3A_650, %sub3A_667 : i32
      %jit3A_669 = arith.constant 5 : i32
      %eq3A_670 = arith.constant 0 : i32
      %eq3A_671 = arith.cmpi eq, %jit3A_669, %eq3A_670 : i32
      %jit3A_672 = arith.constant 1 : i32
      %select_n3A_673 = arith.select %eq3A_671, %jit3A_672, %jit3A_669 : i32
      %rem3A_674 = arith.remsi %sub3A_668, %select_n3A_673 : i32
      %ne3A_675 = arith.constant 0 : i32
      %ne3A_676 = arith.cmpi ne, %rem3A_674, %ne3A_675 : i32
      %lt3A_677 = arith.constant 0 : i32
      %lt3A_678 = arith.cmpi slt, %rem3A_674, %lt3A_677 : i32
      %lt3A_679 = arith.constant 0 : i32
      %lt3A_680 = arith.cmpi slt, %select_n3A_673, %lt3A_679 : i32
      %ne3A_681 = arith.xori %lt3A_678, %lt3A_680 : i1
      %and3A_682 = arith.andi %ne3A_681, %ne3A_676 : i1
      %add3A_683 = arith.addi %rem3A_674, %select_n3A_673 : i32
      %select_n3A_684 = arith.select %and3A_682, %add3A_683, %rem3A_674 : i32
      %sub3A_685 = arith.constant 1 : i32
      %sub3A_686 = arith.subi %add3A_650, %sub3A_685 : i32
      %dma_wait3A_687 = arith.constant 0 : i32
      %dma_wait3A_688 = arith.constant 0 : i32
      %dma_wait3A_689 = tpu.memref_slice %arg6[%select_n3A_684, %dma_wait3A_687, %dma_wait3A_688] : memref<5x128x128xf32, #tpu.memory_space<vmem>> -> memref<1x128x128xf32, #tpu.memory_space<vmem>>
      %dma_wait3A_690 = tpu.memref_squeeze %dma_wait3A_689 : memref<1x128x128xf32, #tpu.memory_space<vmem>> -> memref<128x128xf32, #tpu.memory_space<vmem>>
      %dma_wait3A_691 = arith.constant 0 : i32
      %dma_wait3A_692 = tpu.memref_slice %arg4[%sub3A_686, %mul3A_2, %dma_wait3A_691] : memref<50x4096x128xf32, #tpu.memory_space<hbm>> -> memref<1x128x128xf32, #tpu.memory_space<hbm>>
      %dma_wait3A_693 = tpu.memref_squeeze %dma_wait3A_692 : memref<1x128x128xf32, #tpu.memory_space<hbm>> -> memref<128x128xf32, #tpu.memory_space<hbm>>
      %dma_wait3A_694 = tpu.memref_slice %arg8[%select_n3A_684] : memref<5x!tpu.dma_semaphore, #tpu.memory_space<semaphore_mem>> -> memref<1x!tpu.dma_semaphore, #tpu.memory_space<semaphore_mem>>
      %dma_wait3A_695 = tpu.memref_squeeze %dma_wait3A_694 : memref<1x!tpu.dma_semaphore, #tpu.memory_space<semaphore_mem>> -> memref<!tpu.dma_semaphore, #tpu.memory_space<semaphore_mem>>
      %dma_wait3A_696 = arith.constant 0 : i32
      %dma_wait3A_697 = tpu.memref_slice %arg4[%sub3A_686, %mul3A_2, %dma_wait3A_696] : memref<50x4096x128xf32, #tpu.memory_space<hbm>> -> memref<1x128x128xf32, #tpu.memory_space<hbm>>
      %dma_wait3A_698 = tpu.memref_squeeze %dma_wait3A_697 : memref<1x128x128xf32, #tpu.memory_space<hbm>> -> memref<128x128xf32, #tpu.memory_space<hbm>>
      %dma_wait3A_699 = arith.constant 0 : i32
      %dma_wait3A_700 = arith.constant 0 : i32
      %dma_wait3A_701 = tpu.memref_slice %arg6[%select_n3A_684, %dma_wait3A_699, %dma_wait3A_700] : memref<5x128x128xf32, #tpu.memory_space<vmem>> -> memref<1x128x128xf32, #tpu.memory_space<vmem>>
      %dma_wait3A_702 = tpu.memref_squeeze %dma_wait3A_701 : memref<1x128x128xf32, #tpu.memory_space<vmem>> -> memref<128x128xf32, #tpu.memory_space<vmem>>
      tpu.wait_dma2 semaphore(%dma_wait3A_695 : memref<!tpu.dma_semaphore, #tpu.memory_space<semaphore_mem>>) src(%dma_wait3A_702 : memref<128x128xf32, #tpu.memory_space<vmem>>) dst(%dma_wait3A_698 : memref<128x128xf32, #tpu.memory_space<hbm>>)
      %sub3A_703 = arith.constant 1 : i32
      %sub3A_704 = arith.subi %add3A_650, %sub3A_703 : i32
      %add3A_705 = arith.constant 5 : i32
      %add3A_706 = arith.addi %sub3A_704, %add3A_705 : i32
      %dma_start3A_707 = arith.constant 0 : i32
      %dma_start3A_708 = arith.constant 0 : i32
      %dma_start3A_709 = tpu.memref_slice %arg6[%select_n3A_684, %dma_start3A_707, %dma_start3A_708] : memref<5x128x128xf32, #tpu.memory_space<vmem>> -> memref<1x128x128xf32, #tpu.memory_space<vmem>>
      %dma_start3A_710 = tpu.memref_squeeze %dma_start3A_709 : memref<1x128x128xf32, #tpu.memory_space<vmem>> -> memref<128x128xf32, #tpu.memory_space<vmem>>
      %dma_start3A_711 = arith.constant 0 : i32
      %dma_start3A_712 = tpu.memref_slice %arg5[%add3A_706, %dma_start3A_711] : memref<50x128xi32, #tpu.memory_space<vmem>> -> memref<1x128xi32, #tpu.memory_space<vmem>>
      %dma_start3A_713 = tpu.memref_squeeze %dma_start3A_712 : memref<1x128xi32, #tpu.memory_space<vmem>> -> memref<128xi32, #tpu.memory_space<vmem>>
      %dma_start3A_714 = arith.constant 0 : i32
      %dma_start3A_715 = arith.constant 0 : i32
      %dma_start3A_716 = tpu.memref_slice %arg3[%dma_start3A_714, %dma_start3A_715] : memref<100000x128xf32, #tpu.memory_space<hbm>> -> memref<100000x128xf32, #tpu.memory_space<hbm>>
      %dma_start3A_717 = tpu.memref_slice %arg7[%select_n3A_684] : memref<5x!tpu.dma_semaphore, #tpu.memory_space<semaphore_mem>> -> memref<1x!tpu.dma_semaphore, #tpu.memory_space<semaphore_mem>>
      %dma_start3A_718 = tpu.memref_squeeze %dma_start3A_717 : memref<1x!tpu.dma_semaphore, #tpu.memory_space<semaphore_mem>> -> memref<!tpu.dma_semaphore, #tpu.memory_space<semaphore_mem>>
      tpu.enqueue_indirect_dma source(%dma_start3A_716 : memref<100000x128xf32, #tpu.memory_space<hbm>>) target(%dma_start3A_710 : memref<128x128xf32, #tpu.memory_space<vmem>>) offsets(%dma_start3A_713 : memref<128xi32, #tpu.memory_space<vmem>>) semaphore(%dma_start3A_718 : memref<!tpu.dma_semaphore, #tpu.memory_space<semaphore_mem>>)
      %dma_wait3A_719 = arith.constant 0 : i32
      %dma_wait3A_720 = arith.constant 0 : i32
      %dma_wait3A_721 = tpu.memref_slice %arg6[%select_n3A_666, %dma_wait3A_719, %dma_wait3A_720] : memref<5x128x128xf32, #tpu.memory_space<vmem>> -> memref<1x128x128xf32, #tpu.memory_space<vmem>>
      %dma_wait3A_722 = tpu.memref_squeeze %dma_wait3A_721 : memref<1x128x128xf32, #tpu.memory_space<vmem>> -> memref<128x128xf32, #tpu.memory_space<vmem>>
      %dma_wait3A_723 = arith.constant 0 : i32
      %dma_wait3A_724 = tpu.memref_slice %arg5[%add3A_650, %dma_wait3A_723] : memref<50x128xi32, #tpu.memory_space<vmem>> -> memref<1x128xi32, #tpu.memory_space<vmem>>
      %dma_wait3A_725 = tpu.memref_squeeze %dma_wait3A_724 : memref<1x128xi32, #tpu.memory_space<vmem>> -> memref<128xi32, #tpu.memory_space<vmem>>
      %dma_wait3A_726 = arith.constant 0 : i32
      %dma_wait3A_727 = arith.constant 0 : i32
      %dma_wait3A_728 = tpu.memref_slice %arg3[%dma_wait3A_726, %dma_wait3A_727] : memref<100000x128xf32, #tpu.memory_space<hbm>> -> memref<100000x128xf32, #tpu.memory_space<hbm>>
      %dma_wait3A_729 = tpu.memref_slice %arg7[%select_n3A_666] : memref<5x!tpu.dma_semaphore, #tpu.memory_space<semaphore_mem>> -> memref<1x!tpu.dma_semaphore, #tpu.memory_space<semaphore_mem>>
      %dma_wait3A_730 = tpu.memref_squeeze %dma_wait3A_729 : memref<1x!tpu.dma_semaphore, #tpu.memory_space<semaphore_mem>> -> memref<!tpu.dma_semaphore, #tpu.memory_space<semaphore_mem>>
      tpu.wait_indirect_dma semaphore(%dma_wait3A_730 : memref<!tpu.dma_semaphore, #tpu.memory_space<semaphore_mem>>) src(%dma_wait3A_728 : memref<100000x128xf32, #tpu.memory_space<hbm>>) dst(%dma_wait3A_722 : memref<128x128xf32, #tpu.memory_space<vmem>>)
      %dma_start3A_731 = arith.constant 0 : i32
      %dma_start3A_732 = arith.constant 0 : i32
      %dma_start3A_733 = tpu.memref_slice %arg6[%select_n3A_666, %dma_start3A_731, %dma_start3A_732] : memref<5x128x128xf32, #tpu.memory_space<vmem>> -> memref<1x128x128xf32, #tpu.memory_space<vmem>>
      %dma_start3A_734 = tpu.memref_squeeze %dma_start3A_733 : memref<1x128x128xf32, #tpu.memory_space<vmem>> -> memref<128x128xf32, #tpu.memory_space<vmem>>
      %dma_start3A_735 = arith.constant 0 : i32
      %dma_start3A_736 = tpu.memref_slice %arg4[%add3A_650, %mul3A_2, %dma_start3A_735] : memref<50x4096x128xf32, #tpu.memory_space<hbm>> -> memref<1x128x128xf32, #tpu.memory_space<hbm>>
      %dma_start3A_737 = tpu.memref_squeeze %dma_start3A_736 : memref<1x128x128xf32, #tpu.memory_space<hbm>> -> memref<128x128xf32, #tpu.memory_space<hbm>>
      %dma_start3A_738 = tpu.memref_slice %arg8[%select_n3A_666] : memref<5x!tpu.dma_semaphore, #tpu.memory_space<semaphore_mem>> -> memref<1x!tpu.dma_semaphore, #tpu.memory_space<semaphore_mem>>
      %dma_start3A_739 = tpu.memref_squeeze %dma_start3A_738 : memref<1x!tpu.dma_semaphore, #tpu.memory_space<semaphore_mem>> -> memref<!tpu.dma_semaphore, #tpu.memory_space<semaphore_mem>>
      %dma_start3A_740 = arith.constant 0 : i32
      %dma_start3A_741 = tpu.memref_slice %arg4[%add3A_650, %mul3A_2, %dma_start3A_740] : memref<50x4096x128xf32, #tpu.memory_space<hbm>> -> memref<1x128x128xf32, #tpu.memory_space<hbm>>
      %dma_start3A_742 = tpu.memref_squeeze %dma_start3A_741 : memref<1x128x128xf32, #tpu.memory_space<hbm>> -> memref<128x128xf32, #tpu.memory_space<hbm>>
      %dma_start3A_743 = arith.constant 0 : i32
      %dma_start3A_744 = arith.constant 0 : i32
      %dma_start3A_745 = tpu.memref_slice %arg6[%select_n3A_666, %dma_start3A_743, %dma_start3A_744] : memref<5x128x128xf32, #tpu.memory_space<vmem>> -> memref<1x128x128xf32, #tpu.memory_space<vmem>>
      %dma_start3A_746 = tpu.memref_squeeze %dma_start3A_745 : memref<1x128x128xf32, #tpu.memory_space<vmem>> -> memref<128x128xf32, #tpu.memory_space<vmem>>
      tpu.enqueue_dma source(%dma_start3A_746 : memref<128x128xf32, #tpu.memory_space<vmem>>) target(%dma_start3A_742 : memref<128x128xf32, #tpu.memory_space<hbm>>) target_semaphore(%dma_start3A_739 : memref<!tpu.dma_semaphore, #tpu.memory_space<semaphore_mem>>)
      %mul3A_747 = arith.constant 5 : i32
      %mul3A_748 = arith.muli %scan3A_346, %mul3A_747 : i32
      %add3A_749 = arith.constant 4 : i32
      %add3A_750 = arith.addi %mul3A_748, %add3A_749 : i32
      %add3A_751 = arith.constant 1 : i32
      %add3A_752 = arith.addi %add3A_750, %add3A_751 : i32
      %jit3A_753 = arith.constant 5 : i32
      %eq3A_754 = arith.constant 0 : i32
      %eq3A_755 = arith.cmpi eq, %jit3A_753, %eq3A_754 : i32
      %jit3A_756 = arith.constant 1 : i32
      %select_n3A_757 = arith.select %eq3A_755, %jit3A_756, %jit3A_753 : i32
      %rem3A_758 = arith.remsi %add3A_752, %select_n3A_757 : i32
      %ne3A_759 = arith.constant 0 : i32
      %ne3A_760 = arith.cmpi ne, %rem3A_758, %ne3A_759 : i32
      %lt3A_761 = arith.constant 0 : i32
      %lt3A_762 = arith.cmpi slt, %rem3A_758, %lt3A_761 : i32
      %lt3A_763 = arith.constant 0 : i32
      %lt3A_764 = arith.cmpi slt, %select_n3A_757, %lt3A_763 : i32
      %ne3A_765 = arith.xori %lt3A_762, %lt3A_764 : i1
      %and3A_766 = arith.andi %ne3A_765, %ne3A_760 : i1
      %add3A_767 = arith.addi %rem3A_758, %select_n3A_757 : i32
      %select_n3A_768 = arith.select %and3A_766, %add3A_767, %rem3A_758 : i32
      %sub3A_769 = arith.constant 1 : i32
      %sub3A_770 = arith.subi %add3A_752, %sub3A_769 : i32
      %jit3A_771 = arith.constant 5 : i32
      %eq3A_772 = arith.constant 0 : i32
      %eq3A_773 = arith.cmpi eq, %jit3A_771, %eq3A_772 : i32
      %jit3A_774 = arith.constant 1 : i32
      %select_n3A_775 = arith.select %eq3A_773, %jit3A_774, %jit3A_771 : i32
      %rem3A_776 = arith.remsi %sub3A_770, %select_n3A_775 : i32
      %ne3A_777 = arith.constant 0 : i32
      %ne3A_778 = arith.cmpi ne, %rem3A_776, %ne3A_777 : i32
      %lt3A_779 = arith.constant 0 : i32
      %lt3A_780 = arith.cmpi slt, %rem3A_776, %lt3A_779 : i32
      %lt3A_781 = arith.constant 0 : i32
      %lt3A_782 = arith.cmpi slt, %select_n3A_775, %lt3A_781 : i32
      %ne3A_783 = arith.xori %lt3A_780, %lt3A_782 : i1
      %and3A_784 = arith.andi %ne3A_783, %ne3A_778 : i1
      %add3A_785 = arith.addi %rem3A_776, %select_n3A_775 : i32
      %select_n3A_786 = arith.select %and3A_784, %add3A_785, %rem3A_776 : i32
      %sub3A_787 = arith.constant 1 : i32
      %sub3A_788 = arith.subi %add3A_752, %sub3A_787 : i32
      %dma_wait3A_789 = arith.constant 0 : i32
      %dma_wait3A_790 = arith.constant 0 : i32
      %dma_wait3A_791 = tpu.memref_slice %arg6[%select_n3A_786, %dma_wait3A_789, %dma_wait3A_790] : memref<5x128x128xf32, #tpu.memory_space<vmem>> -> memref<1x128x128xf32, #tpu.memory_space<vmem>>
      %dma_wait3A_792 = tpu.memref_squeeze %dma_wait3A_791 : memref<1x128x128xf32, #tpu.memory_space<vmem>> -> memref<128x128xf32, #tpu.memory_space<vmem>>
      %dma_wait3A_793 = arith.constant 0 : i32
      %dma_wait3A_794 = tpu.memref_slice %arg4[%sub3A_788, %mul3A_2, %dma_wait3A_793] : memref<50x4096x128xf32, #tpu.memory_space<hbm>> -> memref<1x128x128xf32, #tpu.memory_space<hbm>>
      %dma_wait3A_795 = tpu.memref_squeeze %dma_wait3A_794 : memref<1x128x128xf32, #tpu.memory_space<hbm>> -> memref<128x128xf32, #tpu.memory_space<hbm>>
      %dma_wait3A_796 = tpu.memref_slice %arg8[%select_n3A_786] : memref<5x!tpu.dma_semaphore, #tpu.memory_space<semaphore_mem>> -> memref<1x!tpu.dma_semaphore, #tpu.memory_space<semaphore_mem>>
      %dma_wait3A_797 = tpu.memref_squeeze %dma_wait3A_796 : memref<1x!tpu.dma_semaphore, #tpu.memory_space<semaphore_mem>> -> memref<!tpu.dma_semaphore, #tpu.memory_space<semaphore_mem>>
      %dma_wait3A_798 = arith.constant 0 : i32
      %dma_wait3A_799 = tpu.memref_slice %arg4[%sub3A_788, %mul3A_2, %dma_wait3A_798] : memref<50x4096x128xf32, #tpu.memory_space<hbm>> -> memref<1x128x128xf32, #tpu.memory_space<hbm>>
      %dma_wait3A_800 = tpu.memref_squeeze %dma_wait3A_799 : memref<1x128x128xf32, #tpu.memory_space<hbm>> -> memref<128x128xf32, #tpu.memory_space<hbm>>
      %dma_wait3A_801 = arith.constant 0 : i32
      %dma_wait3A_802 = arith.constant 0 : i32
      %dma_wait3A_803 = tpu.memref_slice %arg6[%select_n3A_786, %dma_wait3A_801, %dma_wait3A_802] : memref<5x128x128xf32, #tpu.memory_space<vmem>> -> memref<1x128x128xf32, #tpu.memory_space<vmem>>
      %dma_wait3A_804 = tpu.memref_squeeze %dma_wait3A_803 : memref<1x128x128xf32, #tpu.memory_space<vmem>> -> memref<128x128xf32, #tpu.memory_space<vmem>>
      tpu.wait_dma2 semaphore(%dma_wait3A_797 : memref<!tpu.dma_semaphore, #tpu.memory_space<semaphore_mem>>) src(%dma_wait3A_804 : memref<128x128xf32, #tpu.memory_space<vmem>>) dst(%dma_wait3A_800 : memref<128x128xf32, #tpu.memory_space<hbm>>)
      %sub3A_805 = arith.constant 1 : i32
      %sub3A_806 = arith.subi %add3A_752, %sub3A_805 : i32
      %add3A_807 = arith.constant 5 : i32
      %add3A_808 = arith.addi %sub3A_806, %add3A_807 : i32
      %dma_start3A_809 = arith.constant 0 : i32
      %dma_start3A_810 = arith.constant 0 : i32
      %dma_start3A_811 = tpu.memref_slice %arg6[%select_n3A_786, %dma_start3A_809, %dma_start3A_810] : memref<5x128x128xf32, #tpu.memory_space<vmem>> -> memref<1x128x128xf32, #tpu.memory_space<vmem>>
      %dma_start3A_812 = tpu.memref_squeeze %dma_start3A_811 : memref<1x128x128xf32, #tpu.memory_space<vmem>> -> memref<128x128xf32, #tpu.memory_space<vmem>>
      %dma_start3A_813 = arith.constant 0 : i32
      %dma_start3A_814 = tpu.memref_slice %arg5[%add3A_808, %dma_start3A_813] : memref<50x128xi32, #tpu.memory_space<vmem>> -> memref<1x128xi32, #tpu.memory_space<vmem>>
      %dma_start3A_815 = tpu.memref_squeeze %dma_start3A_814 : memref<1x128xi32, #tpu.memory_space<vmem>> -> memref<128xi32, #tpu.memory_space<vmem>>
      %dma_start3A_816 = arith.constant 0 : i32
      %dma_start3A_817 = arith.constant 0 : i32
      %dma_start3A_818 = tpu.memref_slice %arg3[%dma_start3A_816, %dma_start3A_817] : memref<100000x128xf32, #tpu.memory_space<hbm>> -> memref<100000x128xf32, #tpu.memory_space<hbm>>
      %dma_start3A_819 = tpu.memref_slice %arg7[%select_n3A_786] : memref<5x!tpu.dma_semaphore, #tpu.memory_space<semaphore_mem>> -> memref<1x!tpu.dma_semaphore, #tpu.memory_space<semaphore_mem>>
      %dma_start3A_820 = tpu.memref_squeeze %dma_start3A_819 : memref<1x!tpu.dma_semaphore, #tpu.memory_space<semaphore_mem>> -> memref<!tpu.dma_semaphore, #tpu.memory_space<semaphore_mem>>
      tpu.enqueue_indirect_dma source(%dma_start3A_818 : memref<100000x128xf32, #tpu.memory_space<hbm>>) target(%dma_start3A_812 : memref<128x128xf32, #tpu.memory_space<vmem>>) offsets(%dma_start3A_815 : memref<128xi32, #tpu.memory_space<vmem>>) semaphore(%dma_start3A_820 : memref<!tpu.dma_semaphore, #tpu.memory_space<semaphore_mem>>)
      %dma_wait3A_821 = arith.constant 0 : i32
      %dma_wait3A_822 = arith.constant 0 : i32
      %dma_wait3A_823 = tpu.memref_slice %arg6[%select_n3A_768, %dma_wait3A_821, %dma_wait3A_822] : memref<5x128x128xf32, #tpu.memory_space<vmem>> -> memref<1x128x128xf32, #tpu.memory_space<vmem>>
      %dma_wait3A_824 = tpu.memref_squeeze %dma_wait3A_823 : memref<1x128x128xf32, #tpu.memory_space<vmem>> -> memref<128x128xf32, #tpu.memory_space<vmem>>
      %dma_wait3A_825 = arith.constant 0 : i32
      %dma_wait3A_826 = tpu.memref_slice %arg5[%add3A_752, %dma_wait3A_825] : memref<50x128xi32, #tpu.memory_space<vmem>> -> memref<1x128xi32, #tpu.memory_space<vmem>>
      %dma_wait3A_827 = tpu.memref_squeeze %dma_wait3A_826 : memref<1x128xi32, #tpu.memory_space<vmem>> -> memref<128xi32, #tpu.memory_space<vmem>>
      %dma_wait3A_828 = arith.constant 0 : i32
      %dma_wait3A_829 = arith.constant 0 : i32
      %dma_wait3A_830 = tpu.memref_slice %arg3[%dma_wait3A_828, %dma_wait3A_829] : memref<100000x128xf32, #tpu.memory_space<hbm>> -> memref<100000x128xf32, #tpu.memory_space<hbm>>
      %dma_wait3A_831 = tpu.memref_slice %arg7[%select_n3A_768] : memref<5x!tpu.dma_semaphore, #tpu.memory_space<semaphore_mem>> -> memref<1x!tpu.dma_semaphore, #tpu.memory_space<semaphore_mem>>
      %dma_wait3A_832 = tpu.memref_squeeze %dma_wait3A_831 : memref<1x!tpu.dma_semaphore, #tpu.memory_space<semaphore_mem>> -> memref<!tpu.dma_semaphore, #tpu.memory_space<semaphore_mem>>
      tpu.wait_indirect_dma semaphore(%dma_wait3A_832 : memref<!tpu.dma_semaphore, #tpu.memory_space<semaphore_mem>>) src(%dma_wait3A_830 : memref<100000x128xf32, #tpu.memory_space<hbm>>) dst(%dma_wait3A_824 : memref<128x128xf32, #tpu.memory_space<vmem>>)
      %dma_start3A_833 = arith.constant 0 : i32
      %dma_start3A_834 = arith.constant 0 : i32
      %dma_start3A_835 = tpu.memref_slice %arg6[%select_n3A_768, %dma_start3A_833, %dma_start3A_834] : memref<5x128x128xf32, #tpu.memory_space<vmem>> -> memref<1x128x128xf32, #tpu.memory_space<vmem>>
      %dma_start3A_836 = tpu.memref_squeeze %dma_start3A_835 : memref<1x128x128xf32, #tpu.memory_space<vmem>> -> memref<128x128xf32, #tpu.memory_space<vmem>>
      %dma_start3A_837 = arith.constant 0 : i32
      %dma_start3A_838 = tpu.memref_slice %arg4[%add3A_752, %mul3A_2, %dma_start3A_837] : memref<50x4096x128xf32, #tpu.memory_space<hbm>> -> memref<1x128x128xf32, #tpu.memory_space<hbm>>
      %dma_start3A_839 = tpu.memref_squeeze %dma_start3A_838 : memref<1x128x128xf32, #tpu.memory_space<hbm>> -> memref<128x128xf32, #tpu.memory_space<hbm>>
      %dma_start3A_840 = tpu.memref_slice %arg8[%select_n3A_768] : memref<5x!tpu.dma_semaphore, #tpu.memory_space<semaphore_mem>> -> memref<1x!tpu.dma_semaphore, #tpu.memory_space<semaphore_mem>>
      %dma_start3A_841 = tpu.memref_squeeze %dma_start3A_840 : memref<1x!tpu.dma_semaphore, #tpu.memory_space<semaphore_mem>> -> memref<!tpu.dma_semaphore, #tpu.memory_space<semaphore_mem>>
      %dma_start3A_842 = arith.constant 0 : i32
      %dma_start3A_843 = tpu.memref_slice %arg4[%add3A_752, %mul3A_2, %dma_start3A_842] : memref<50x4096x128xf32, #tpu.memory_space<hbm>> -> memref<1x128x128xf32, #tpu.memory_space<hbm>>
      %dma_start3A_844 = tpu.memref_squeeze %dma_start3A_843 : memref<1x128x128xf32, #tpu.memory_space<hbm>> -> memref<128x128xf32, #tpu.memory_space<hbm>>
      %dma_start3A_845 = arith.constant 0 : i32
      %dma_start3A_846 = arith.constant 0 : i32
      %dma_start3A_847 = tpu.memref_slice %arg6[%select_n3A_768, %dma_start3A_845, %dma_start3A_846] : memref<5x128x128xf32, #tpu.memory_space<vmem>> -> memref<1x128x128xf32, #tpu.memory_space<vmem>>
      %dma_start3A_848 = tpu.memref_squeeze %dma_start3A_847 : memref<1x128x128xf32, #tpu.memory_space<vmem>> -> memref<128x128xf32, #tpu.memory_space<vmem>>
      tpu.enqueue_dma source(%dma_start3A_848 : memref<128x128xf32, #tpu.memory_space<vmem>>) target(%dma_start3A_844 : memref<128x128xf32, #tpu.memory_space<hbm>>) target_semaphore(%dma_start3A_841 : memref<!tpu.dma_semaphore, #tpu.memory_space<semaphore_mem>>)
    }
    %scan3A_114 = arith.constant 9 : i32
    %dma_wait3A_115 = arith.constant 46 : i32
    %dma_wait3A_116 = arith.constant 1 : i32
    %dma_wait3A_117 = arith.constant 1 : i32
    %dma_wait3A_118 = arith.constant 0 : i32
    %dma_wait3A_119 = arith.constant 0 : i32
    %dma_wait3A_120 = tpu.memref_slice %arg6[%dma_wait3A_116, %dma_wait3A_118, %dma_wait3A_119] : memref<5x128x128xf32, #tpu.memory_space<vmem>> -> memref<1x128x128xf32, #tpu.memory_space<vmem>>
    %dma_wait3A_121 = tpu.memref_squeeze %dma_wait3A_120 : memref<1x128x128xf32, #tpu.memory_space<vmem>> -> memref<128x128xf32, #tpu.memory_space<vmem>>
    %dma_wait3A_122 = arith.constant 0 : i32
    %dma_wait3A_123 = tpu.memref_slice %arg5[%dma_wait3A_115, %dma_wait3A_122] : memref<50x128xi32, #tpu.memory_space<vmem>> -> memref<1x128xi32, #tpu.memory_space<vmem>>
    %dma_wait3A_124 = tpu.memref_squeeze %dma_wait3A_123 : memref<1x128xi32, #tpu.memory_space<vmem>> -> memref<128xi32, #tpu.memory_space<vmem>>
    %dma_wait3A_125 = arith.constant 0 : i32
    %dma_wait3A_126 = arith.constant 0 : i32
    %dma_wait3A_127 = tpu.memref_slice %arg3[%dma_wait3A_125, %dma_wait3A_126] : memref<100000x128xf32, #tpu.memory_space<hbm>> -> memref<100000x128xf32, #tpu.memory_space<hbm>>
    %dma_wait3A_128 = tpu.memref_slice %arg7[%dma_wait3A_117] : memref<5x!tpu.dma_semaphore, #tpu.memory_space<semaphore_mem>> -> memref<1x!tpu.dma_semaphore, #tpu.memory_space<semaphore_mem>>
    %dma_wait3A_129 = tpu.memref_squeeze %dma_wait3A_128 : memref<1x!tpu.dma_semaphore, #tpu.memory_space<semaphore_mem>> -> memref<!tpu.dma_semaphore, #tpu.memory_space<semaphore_mem>>
    tpu.wait_indirect_dma semaphore(%dma_wait3A_129 : memref<!tpu.dma_semaphore, #tpu.memory_space<semaphore_mem>>) src(%dma_wait3A_127 : memref<100000x128xf32, #tpu.memory_space<hbm>>) dst(%dma_wait3A_121 : memref<128x128xf32, #tpu.memory_space<vmem>>)
    %dma_start3A_130 = arith.constant 1 : i32
    %dma_start3A_131 = arith.constant 46 : i32
    %dma_start3A_132 = arith.constant 1 : i32
    %dma_start3A_133 = arith.constant 0 : i32
    %dma_start3A_134 = arith.constant 0 : i32
    %dma_start3A_135 = tpu.memref_slice %arg6[%dma_start3A_130, %dma_start3A_133, %dma_start3A_134] : memref<5x128x128xf32, #tpu.memory_space<vmem>> -> memref<1x128x128xf32, #tpu.memory_space<vmem>>
    %dma_start3A_136 = tpu.memref_squeeze %dma_start3A_135 : memref<1x128x128xf32, #tpu.memory_space<vmem>> -> memref<128x128xf32, #tpu.memory_space<vmem>>
    %dma_start3A_137 = arith.constant 0 : i32
    %dma_start3A_138 = tpu.memref_slice %arg4[%dma_start3A_131, %mul3A_2, %dma_start3A_137] : memref<50x4096x128xf32, #tpu.memory_space<hbm>> -> memref<1x128x128xf32, #tpu.memory_space<hbm>>
    %dma_start3A_139 = tpu.memref_squeeze %dma_start3A_138 : memref<1x128x128xf32, #tpu.memory_space<hbm>> -> memref<128x128xf32, #tpu.memory_space<hbm>>
    %dma_start3A_140 = tpu.memref_slice %arg8[%dma_start3A_132] : memref<5x!tpu.dma_semaphore, #tpu.memory_space<semaphore_mem>> -> memref<1x!tpu.dma_semaphore, #tpu.memory_space<semaphore_mem>>
    %dma_start3A_141 = tpu.memref_squeeze %dma_start3A_140 : memref<1x!tpu.dma_semaphore, #tpu.memory_space<semaphore_mem>> -> memref<!tpu.dma_semaphore, #tpu.memory_space<semaphore_mem>>
    %dma_start3A_142 = arith.constant 0 : i32
    %dma_start3A_143 = tpu.memref_slice %arg4[%dma_start3A_131, %mul3A_2, %dma_start3A_142] : memref<50x4096x128xf32, #tpu.memory_space<hbm>> -> memref<1x128x128xf32, #tpu.memory_space<hbm>>
    %dma_start3A_144 = tpu.memref_squeeze %dma_start3A_143 : memref<1x128x128xf32, #tpu.memory_space<hbm>> -> memref<128x128xf32, #tpu.memory_space<hbm>>
    %dma_start3A_145 = arith.constant 0 : i32
    %dma_start3A_146 = arith.constant 0 : i32
    %dma_start3A_147 = tpu.memref_slice %arg6[%dma_start3A_130, %dma_start3A_145, %dma_start3A_146] : memref<5x128x128xf32, #tpu.memory_space<vmem>> -> memref<1x128x128xf32, #tpu.memory_space<vmem>>
    %dma_start3A_148 = tpu.memref_squeeze %dma_start3A_147 : memref<1x128x128xf32, #tpu.memory_space<vmem>> -> memref<128x128xf32, #tpu.memory_space<vmem>>
    tpu.enqueue_dma source(%dma_start3A_148 : memref<128x128xf32, #tpu.memory_space<vmem>>) target(%dma_start3A_144 : memref<128x128xf32, #tpu.memory_space<hbm>>) target_semaphore(%dma_start3A_141 : memref<!tpu.dma_semaphore, #tpu.memory_space<semaphore_mem>>)
    %dma_wait3A_149 = arith.constant 47 : i32
    %dma_wait3A_150 = arith.constant 2 : i32
    %dma_wait3A_151 = arith.constant 2 : i32
    %dma_wait3A_152 = arith.constant 0 : i32
    %dma_wait3A_153 = arith.constant 0 : i32
    %dma_wait3A_154 = tpu.memref_slice %arg6[%dma_wait3A_150, %dma_wait3A_152, %dma_wait3A_153] : memref<5x128x128xf32, #tpu.memory_space<vmem>> -> memref<1x128x128xf32, #tpu.memory_space<vmem>>
    %dma_wait3A_155 = tpu.memref_squeeze %dma_wait3A_154 : memref<1x128x128xf32, #tpu.memory_space<vmem>> -> memref<128x128xf32, #tpu.memory_space<vmem>>
    %dma_wait3A_156 = arith.constant 0 : i32
    %dma_wait3A_157 = tpu.memref_slice %arg5[%dma_wait3A_149, %dma_wait3A_156] : memref<50x128xi32, #tpu.memory_space<vmem>> -> memref<1x128xi32, #tpu.memory_space<vmem>>
    %dma_wait3A_158 = tpu.memref_squeeze %dma_wait3A_157 : memref<1x128xi32, #tpu.memory_space<vmem>> -> memref<128xi32, #tpu.memory_space<vmem>>
    %dma_wait3A_159 = arith.constant 0 : i32
    %dma_wait3A_160 = arith.constant 0 : i32
    %dma_wait3A_161 = tpu.memref_slice %arg3[%dma_wait3A_159, %dma_wait3A_160] : memref<100000x128xf32, #tpu.memory_space<hbm>> -> memref<100000x128xf32, #tpu.memory_space<hbm>>
    %dma_wait3A_162 = tpu.memref_slice %arg7[%dma_wait3A_151] : memref<5x!tpu.dma_semaphore, #tpu.memory_space<semaphore_mem>> -> memref<1x!tpu.dma_semaphore, #tpu.memory_space<semaphore_mem>>
    %dma_wait3A_163 = tpu.memref_squeeze %dma_wait3A_162 : memref<1x!tpu.dma_semaphore, #tpu.memory_space<semaphore_mem>> -> memref<!tpu.dma_semaphore, #tpu.memory_space<semaphore_mem>>
    tpu.wait_indirect_dma semaphore(%dma_wait3A_163 : memref<!tpu.dma_semaphore, #tpu.memory_space<semaphore_mem>>) src(%dma_wait3A_161 : memref<100000x128xf32, #tpu.memory_space<hbm>>) dst(%dma_wait3A_155 : memref<128x128xf32, #tpu.memory_space<vmem>>)
    %dma_start3A_164 = arith.constant 2 : i32
    %dma_start3A_165 = arith.constant 47 : i32
    %dma_start3A_166 = arith.constant 2 : i32
    %dma_start3A_167 = arith.constant 0 : i32
    %dma_start3A_168 = arith.constant 0 : i32
    %dma_start3A_169 = tpu.memref_slice %arg6[%dma_start3A_164, %dma_start3A_167, %dma_start3A_168] : memref<5x128x128xf32, #tpu.memory_space<vmem>> -> memref<1x128x128xf32, #tpu.memory_space<vmem>>
    %dma_start3A_170 = tpu.memref_squeeze %dma_start3A_169 : memref<1x128x128xf32, #tpu.memory_space<vmem>> -> memref<128x128xf32, #tpu.memory_space<vmem>>
    %dma_start3A_171 = arith.constant 0 : i32
    %dma_start3A_172 = tpu.memref_slice %arg4[%dma_start3A_165, %mul3A_2, %dma_start3A_171] : memref<50x4096x128xf32, #tpu.memory_space<hbm>> -> memref<1x128x128xf32, #tpu.memory_space<hbm>>
    %dma_start3A_173 = tpu.memref_squeeze %dma_start3A_172 : memref<1x128x128xf32, #tpu.memory_space<hbm>> -> memref<128x128xf32, #tpu.memory_space<hbm>>
    %dma_start3A_174 = tpu.memref_slice %arg8[%dma_start3A_166] : memref<5x!tpu.dma_semaphore, #tpu.memory_space<semaphore_mem>> -> memref<1x!tpu.dma_semaphore, #tpu.memory_space<semaphore_mem>>
    %dma_start3A_175 = tpu.memref_squeeze %dma_start3A_174 : memref<1x!tpu.dma_semaphore, #tpu.memory_space<semaphore_mem>> -> memref<!tpu.dma_semaphore, #tpu.memory_space<semaphore_mem>>
    %dma_start3A_176 = arith.constant 0 : i32
    %dma_start3A_177 = tpu.memref_slice %arg4[%dma_start3A_165, %mul3A_2, %dma_start3A_176] : memref<50x4096x128xf32, #tpu.memory_space<hbm>> -> memref<1x128x128xf32, #tpu.memory_space<hbm>>
    %dma_start3A_178 = tpu.memref_squeeze %dma_start3A_177 : memref<1x128x128xf32, #tpu.memory_space<hbm>> -> memref<128x128xf32, #tpu.memory_space<hbm>>
    %dma_start3A_179 = arith.constant 0 : i32
    %dma_start3A_180 = arith.constant 0 : i32
    %dma_start3A_181 = tpu.memref_slice %arg6[%dma_start3A_164, %dma_start3A_179, %dma_start3A_180] : memref<5x128x128xf32, #tpu.memory_space<vmem>> -> memref<1x128x128xf32, #tpu.memory_space<vmem>>
    %dma_start3A_182 = tpu.memref_squeeze %dma_start3A_181 : memref<1x128x128xf32, #tpu.memory_space<vmem>> -> memref<128x128xf32, #tpu.memory_space<vmem>>
    tpu.enqueue_dma source(%dma_start3A_182 : memref<128x128xf32, #tpu.memory_space<vmem>>) target(%dma_start3A_178 : memref<128x128xf32, #tpu.memory_space<hbm>>) target_semaphore(%dma_start3A_175 : memref<!tpu.dma_semaphore, #tpu.memory_space<semaphore_mem>>)
    %dma_wait3A_183 = arith.constant 48 : i32
    %dma_wait3A_184 = arith.constant 3 : i32
    %dma_wait3A_185 = arith.constant 3 : i32
    %dma_wait3A_186 = arith.constant 0 : i32
    %dma_wait3A_187 = arith.constant 0 : i32
    %dma_wait3A_188 = tpu.memref_slice %arg6[%dma_wait3A_184, %dma_wait3A_186, %dma_wait3A_187] : memref<5x128x128xf32, #tpu.memory_space<vmem>> -> memref<1x128x128xf32, #tpu.memory_space<vmem>>
    %dma_wait3A_189 = tpu.memref_squeeze %dma_wait3A_188 : memref<1x128x128xf32, #tpu.memory_space<vmem>> -> memref<128x128xf32, #tpu.memory_space<vmem>>
    %dma_wait3A_190 = arith.constant 0 : i32
    %dma_wait3A_191 = tpu.memref_slice %arg5[%dma_wait3A_183, %dma_wait3A_190] : memref<50x128xi32, #tpu.memory_space<vmem>> -> memref<1x128xi32, #tpu.memory_space<vmem>>
    %dma_wait3A_192 = tpu.memref_squeeze %dma_wait3A_191 : memref<1x128xi32, #tpu.memory_space<vmem>> -> memref<128xi32, #tpu.memory_space<vmem>>
    %dma_wait3A_193 = arith.constant 0 : i32
    %dma_wait3A_194 = arith.constant 0 : i32
    %dma_wait3A_195 = tpu.memref_slice %arg3[%dma_wait3A_193, %dma_wait3A_194] : memref<100000x128xf32, #tpu.memory_space<hbm>> -> memref<100000x128xf32, #tpu.memory_space<hbm>>
    %dma_wait3A_196 = tpu.memref_slice %arg7[%dma_wait3A_185] : memref<5x!tpu.dma_semaphore, #tpu.memory_space<semaphore_mem>> -> memref<1x!tpu.dma_semaphore, #tpu.memory_space<semaphore_mem>>
    %dma_wait3A_197 = tpu.memref_squeeze %dma_wait3A_196 : memref<1x!tpu.dma_semaphore, #tpu.memory_space<semaphore_mem>> -> memref<!tpu.dma_semaphore, #tpu.memory_space<semaphore_mem>>
    tpu.wait_indirect_dma semaphore(%dma_wait3A_197 : memref<!tpu.dma_semaphore, #tpu.memory_space<semaphore_mem>>) src(%dma_wait3A_195 : memref<100000x128xf32, #tpu.memory_space<hbm>>) dst(%dma_wait3A_189 : memref<128x128xf32, #tpu.memory_space<vmem>>)
    %dma_start3A_198 = arith.constant 3 : i32
    %dma_start3A_199 = arith.constant 48 : i32
    %dma_start3A_200 = arith.constant 3 : i32
    %dma_start3A_201 = arith.constant 0 : i32
    %dma_start3A_202 = arith.constant 0 : i32
    %dma_start3A_203 = tpu.memref_slice %arg6[%dma_start3A_198, %dma_start3A_201, %dma_start3A_202] : memref<5x128x128xf32, #tpu.memory_space<vmem>> -> memref<1x128x128xf32, #tpu.memory_space<vmem>>
    %dma_start3A_204 = tpu.memref_squeeze %dma_start3A_203 : memref<1x128x128xf32, #tpu.memory_space<vmem>> -> memref<128x128xf32, #tpu.memory_space<vmem>>
    %dma_start3A_205 = arith.constant 0 : i32
    %dma_start3A_206 = tpu.memref_slice %arg4[%dma_start3A_199, %mul3A_2, %dma_start3A_205] : memref<50x4096x128xf32, #tpu.memory_space<hbm>> -> memref<1x128x128xf32, #tpu.memory_space<hbm>>
    %dma_start3A_207 = tpu.memref_squeeze %dma_start3A_206 : memref<1x128x128xf32, #tpu.memory_space<hbm>> -> memref<128x128xf32, #tpu.memory_space<hbm>>
    %dma_start3A_208 = tpu.memref_slice %arg8[%dma_start3A_200] : memref<5x!tpu.dma_semaphore, #tpu.memory_space<semaphore_mem>> -> memref<1x!tpu.dma_semaphore, #tpu.memory_space<semaphore_mem>>
    %dma_start3A_209 = tpu.memref_squeeze %dma_start3A_208 : memref<1x!tpu.dma_semaphore, #tpu.memory_space<semaphore_mem>> -> memref<!tpu.dma_semaphore, #tpu.memory_space<semaphore_mem>>
    %dma_start3A_210 = arith.constant 0 : i32
    %dma_start3A_211 = tpu.memref_slice %arg4[%dma_start3A_199, %mul3A_2, %dma_start3A_210] : memref<50x4096x128xf32, #tpu.memory_space<hbm>> -> memref<1x128x128xf32, #tpu.memory_space<hbm>>
    %dma_start3A_212 = tpu.memref_squeeze %dma_start3A_211 : memref<1x128x128xf32, #tpu.memory_space<hbm>> -> memref<128x128xf32, #tpu.memory_space<hbm>>
    %dma_start3A_213 = arith.constant 0 : i32
    %dma_start3A_214 = arith.constant 0 : i32
    %dma_start3A_215 = tpu.memref_slice %arg6[%dma_start3A_198, %dma_start3A_213, %dma_start3A_214] : memref<5x128x128xf32, #tpu.memory_space<vmem>> -> memref<1x128x128xf32, #tpu.memory_space<vmem>>
    %dma_start3A_216 = tpu.memref_squeeze %dma_start3A_215 : memref<1x128x128xf32, #tpu.memory_space<vmem>> -> memref<128x128xf32, #tpu.memory_space<vmem>>
    tpu.enqueue_dma source(%dma_start3A_216 : memref<128x128xf32, #tpu.memory_space<vmem>>) target(%dma_start3A_212 : memref<128x128xf32, #tpu.memory_space<hbm>>) target_semaphore(%dma_start3A_209 : memref<!tpu.dma_semaphore, #tpu.memory_space<semaphore_mem>>)
    %dma_wait3A_217 = arith.constant 49 : i32
    %dma_wait3A_218 = arith.constant 4 : i32
    %dma_wait3A_219 = arith.constant 4 : i32
    %dma_wait3A_220 = arith.constant 0 : i32
    %dma_wait3A_221 = arith.constant 0 : i32
    %dma_wait3A_222 = tpu.memref_slice %arg6[%dma_wait3A_218, %dma_wait3A_220, %dma_wait3A_221] : memref<5x128x128xf32, #tpu.memory_space<vmem>> -> memref<1x128x128xf32, #tpu.memory_space<vmem>>
    %dma_wait3A_223 = tpu.memref_squeeze %dma_wait3A_222 : memref<1x128x128xf32, #tpu.memory_space<vmem>> -> memref<128x128xf32, #tpu.memory_space<vmem>>
    %dma_wait3A_224 = arith.constant 0 : i32
    %dma_wait3A_225 = tpu.memref_slice %arg5[%dma_wait3A_217, %dma_wait3A_224] : memref<50x128xi32, #tpu.memory_space<vmem>> -> memref<1x128xi32, #tpu.memory_space<vmem>>
    %dma_wait3A_226 = tpu.memref_squeeze %dma_wait3A_225 : memref<1x128xi32, #tpu.memory_space<vmem>> -> memref<128xi32, #tpu.memory_space<vmem>>
    %dma_wait3A_227 = arith.constant 0 : i32
    %dma_wait3A_228 = arith.constant 0 : i32
    %dma_wait3A_229 = tpu.memref_slice %arg3[%dma_wait3A_227, %dma_wait3A_228] : memref<100000x128xf32, #tpu.memory_space<hbm>> -> memref<100000x128xf32, #tpu.memory_space<hbm>>
    %dma_wait3A_230 = tpu.memref_slice %arg7[%dma_wait3A_219] : memref<5x!tpu.dma_semaphore, #tpu.memory_space<semaphore_mem>> -> memref<1x!tpu.dma_semaphore, #tpu.memory_space<semaphore_mem>>
    %dma_wait3A_231 = tpu.memref_squeeze %dma_wait3A_230 : memref<1x!tpu.dma_semaphore, #tpu.memory_space<semaphore_mem>> -> memref<!tpu.dma_semaphore, #tpu.memory_space<semaphore_mem>>
    tpu.wait_indirect_dma semaphore(%dma_wait3A_231 : memref<!tpu.dma_semaphore, #tpu.memory_space<semaphore_mem>>) src(%dma_wait3A_229 : memref<100000x128xf32, #tpu.memory_space<hbm>>) dst(%dma_wait3A_223 : memref<128x128xf32, #tpu.memory_space<vmem>>)
    %dma_start3A_232 = arith.constant 4 : i32
    %dma_start3A_233 = arith.constant 49 : i32
    %dma_start3A_234 = arith.constant 4 : i32
    %dma_start3A_235 = arith.constant 0 : i32
    %dma_start3A_236 = arith.constant 0 : i32
    %dma_start3A_237 = tpu.memref_slice %arg6[%dma_start3A_232, %dma_start3A_235, %dma_start3A_236] : memref<5x128x128xf32, #tpu.memory_space<vmem>> -> memref<1x128x128xf32, #tpu.memory_space<vmem>>
    %dma_start3A_238 = tpu.memref_squeeze %dma_start3A_237 : memref<1x128x128xf32, #tpu.memory_space<vmem>> -> memref<128x128xf32, #tpu.memory_space<vmem>>
    %dma_start3A_239 = arith.constant 0 : i32
    %dma_start3A_240 = tpu.memref_slice %arg4[%dma_start3A_233, %mul3A_2, %dma_start3A_239] : memref<50x4096x128xf32, #tpu.memory_space<hbm>> -> memref<1x128x128xf32, #tpu.memory_space<hbm>>
    %dma_start3A_241 = tpu.memref_squeeze %dma_start3A_240 : memref<1x128x128xf32, #tpu.memory_space<hbm>> -> memref<128x128xf32, #tpu.memory_space<hbm>>
    %dma_start3A_242 = tpu.memref_slice %arg8[%dma_start3A_234] : memref<5x!tpu.dma_semaphore, #tpu.memory_space<semaphore_mem>> -> memref<1x!tpu.dma_semaphore, #tpu.memory_space<semaphore_mem>>
    %dma_start3A_243 = tpu.memref_squeeze %dma_start3A_242 : memref<1x!tpu.dma_semaphore, #tpu.memory_space<semaphore_mem>> -> memref<!tpu.dma_semaphore, #tpu.memory_space<semaphore_mem>>
    %dma_start3A_244 = arith.constant 0 : i32
    %dma_start3A_245 = tpu.memref_slice %arg4[%dma_start3A_233, %mul3A_2, %dma_start3A_244] : memref<50x4096x128xf32, #tpu.memory_space<hbm>> -> memref<1x128x128xf32, #tpu.memory_space<hbm>>
    %dma_start3A_246 = tpu.memref_squeeze %dma_start3A_245 : memref<1x128x128xf32, #tpu.memory_space<hbm>> -> memref<128x128xf32, #tpu.memory_space<hbm>>
    %dma_start3A_247 = arith.constant 0 : i32
    %dma_start3A_248 = arith.constant 0 : i32
    %dma_start3A_249 = tpu.memref_slice %arg6[%dma_start3A_232, %dma_start3A_247, %dma_start3A_248] : memref<5x128x128xf32, #tpu.memory_space<vmem>> -> memref<1x128x128xf32, #tpu.memory_space<vmem>>
    %dma_start3A_250 = tpu.memref_squeeze %dma_start3A_249 : memref<1x128x128xf32, #tpu.memory_space<vmem>> -> memref<128x128xf32, #tpu.memory_space<vmem>>
    tpu.enqueue_dma source(%dma_start3A_250 : memref<128x128xf32, #tpu.memory_space<vmem>>) target(%dma_start3A_246 : memref<128x128xf32, #tpu.memory_space<hbm>>) target_semaphore(%dma_start3A_243 : memref<!tpu.dma_semaphore, #tpu.memory_space<semaphore_mem>>)
    %dma_wait3A_251 = arith.constant 0 : i32
    %dma_wait3A_252 = arith.constant 45 : i32
    %dma_wait3A_253 = arith.constant 0 : i32
    %dma_wait3A_254 = arith.constant 0 : i32
    %dma_wait3A_255 = arith.constant 0 : i32
    %dma_wait3A_256 = tpu.memref_slice %arg6[%dma_wait3A_251, %dma_wait3A_254, %dma_wait3A_255] : memref<5x128x128xf32, #tpu.memory_space<vmem>> -> memref<1x128x128xf32, #tpu.memory_space<vmem>>
    %dma_wait3A_257 = tpu.memref_squeeze %dma_wait3A_256 : memref<1x128x128xf32, #tpu.memory_space<vmem>> -> memref<128x128xf32, #tpu.memory_space<vmem>>
    %dma_wait3A_258 = arith.constant 0 : i32
    %dma_wait3A_259 = tpu.memref_slice %arg4[%dma_wait3A_252, %mul3A_2, %dma_wait3A_258] : memref<50x4096x128xf32, #tpu.memory_space<hbm>> -> memref<1x128x128xf32, #tpu.memory_space<hbm>>
    %dma_wait3A_260 = tpu.memref_squeeze %dma_wait3A_259 : memref<1x128x128xf32, #tpu.memory_space<hbm>> -> memref<128x128xf32, #tpu.memory_space<hbm>>
    %dma_wait3A_261 = tpu.memref_slice %arg8[%dma_wait3A_253] : memref<5x!tpu.dma_semaphore, #tpu.memory_space<semaphore_mem>> -> memref<1x!tpu.dma_semaphore, #tpu.memory_space<semaphore_mem>>
    %dma_wait3A_262 = tpu.memref_squeeze %dma_wait3A_261 : memref<1x!tpu.dma_semaphore, #tpu.memory_space<semaphore_mem>> -> memref<!tpu.dma_semaphore, #tpu.memory_space<semaphore_mem>>
    %dma_wait3A_263 = arith.constant 0 : i32
    %dma_wait3A_264 = tpu.memref_slice %arg4[%dma_wait3A_252, %mul3A_2, %dma_wait3A_263] : memref<50x4096x128xf32, #tpu.memory_space<hbm>> -> memref<1x128x128xf32, #tpu.memory_space<hbm>>
    %dma_wait3A_265 = tpu.memref_squeeze %dma_wait3A_264 : memref<1x128x128xf32, #tpu.memory_space<hbm>> -> memref<128x128xf32, #tpu.memory_space<hbm>>
    %dma_wait3A_266 = arith.constant 0 : i32
    %dma_wait3A_267 = arith.constant 0 : i32
    %dma_wait3A_268 = tpu.memref_slice %arg6[%dma_wait3A_251, %dma_wait3A_266, %dma_wait3A_267] : memref<5x128x128xf32, #tpu.memory_space<vmem>> -> memref<1x128x128xf32, #tpu.memory_space<vmem>>
    %dma_wait3A_269 = tpu.memref_squeeze %dma_wait3A_268 : memref<1x128x128xf32, #tpu.memory_space<vmem>> -> memref<128x128xf32, #tpu.memory_space<vmem>>
    tpu.wait_dma2 semaphore(%dma_wait3A_262 : memref<!tpu.dma_semaphore, #tpu.memory_space<semaphore_mem>>) src(%dma_wait3A_269 : memref<128x128xf32, #tpu.memory_space<vmem>>) dst(%dma_wait3A_265 : memref<128x128xf32, #tpu.memory_space<hbm>>)
    %dma_wait3A_270 = arith.constant 1 : i32
    %dma_wait3A_271 = arith.constant 46 : i32
    %dma_wait3A_272 = arith.constant 1 : i32
    %dma_wait3A_273 = arith.constant 0 : i32
    %dma_wait3A_274 = arith.constant 0 : i32
    %dma_wait3A_275 = tpu.memref_slice %arg6[%dma_wait3A_270, %dma_wait3A_273, %dma_wait3A_274] : memref<5x128x128xf32, #tpu.memory_space<vmem>> -> memref<1x128x128xf32, #tpu.memory_space<vmem>>
    %dma_wait3A_276 = tpu.memref_squeeze %dma_wait3A_275 : memref<1x128x128xf32, #tpu.memory_space<vmem>> -> memref<128x128xf32, #tpu.memory_space<vmem>>
    %dma_wait3A_277 = arith.constant 0 : i32
    %dma_wait3A_278 = tpu.memref_slice %arg4[%dma_wait3A_271, %mul3A_2, %dma_wait3A_277] : memref<50x4096x128xf32, #tpu.memory_space<hbm>> -> memref<1x128x128xf32, #tpu.memory_space<hbm>>
    %dma_wait3A_279 = tpu.memref_squeeze %dma_wait3A_278 : memref<1x128x128xf32, #tpu.memory_space<hbm>> -> memref<128x128xf32, #tpu.memory_space<hbm>>
    %dma_wait3A_280 = tpu.memref_slice %arg8[%dma_wait3A_272] : memref<5x!tpu.dma_semaphore, #tpu.memory_space<semaphore_mem>> -> memref<1x!tpu.dma_semaphore, #tpu.memory_space<semaphore_mem>>
    %dma_wait3A_281 = tpu.memref_squeeze %dma_wait3A_280 : memref<1x!tpu.dma_semaphore, #tpu.memory_space<semaphore_mem>> -> memref<!tpu.dma_semaphore, #tpu.memory_space<semaphore_mem>>
    %dma_wait3A_282 = arith.constant 0 : i32
    %dma_wait3A_283 = tpu.memref_slice %arg4[%dma_wait3A_271, %mul3A_2, %dma_wait3A_282] : memref<50x4096x128xf32, #tpu.memory_space<hbm>> -> memref<1x128x128xf32, #tpu.memory_space<hbm>>
    %dma_wait3A_284 = tpu.memref_squeeze %dma_wait3A_283 : memref<1x128x128xf32, #tpu.memory_space<hbm>> -> memref<128x128xf32, #tpu.memory_space<hbm>>
    %dma_wait3A_285 = arith.constant 0 : i32
    %dma_wait3A_286 = arith.constant 0 : i32
    %dma_wait3A_287 = tpu.memref_slice %arg6[%dma_wait3A_270, %dma_wait3A_285, %dma_wait3A_286] : memref<5x128x128xf32, #tpu.memory_space<vmem>> -> memref<1x128x128xf32, #tpu.memory_space<vmem>>
    %dma_wait3A_288 = tpu.memref_squeeze %dma_wait3A_287 : memref<1x128x128xf32, #tpu.memory_space<vmem>> -> memref<128x128xf32, #tpu.memory_space<vmem>>
    tpu.wait_dma2 semaphore(%dma_wait3A_281 : memref<!tpu.dma_semaphore, #tpu.memory_space<semaphore_mem>>) src(%dma_wait3A_288 : memref<128x128xf32, #tpu.memory_space<vmem>>) dst(%dma_wait3A_284 : memref<128x128xf32, #tpu.memory_space<hbm>>)
    %dma_wait3A_289 = arith.constant 2 : i32
    %dma_wait3A_290 = arith.constant 47 : i32
    %dma_wait3A_291 = arith.constant 2 : i32
    %dma_wait3A_292 = arith.constant 0 : i32
    %dma_wait3A_293 = arith.constant 0 : i32
    %dma_wait3A_294 = tpu.memref_slice %arg6[%dma_wait3A_289, %dma_wait3A_292, %dma_wait3A_293] : memref<5x128x128xf32, #tpu.memory_space<vmem>> -> memref<1x128x128xf32, #tpu.memory_space<vmem>>
    %dma_wait3A_295 = tpu.memref_squeeze %dma_wait3A_294 : memref<1x128x128xf32, #tpu.memory_space<vmem>> -> memref<128x128xf32, #tpu.memory_space<vmem>>
    %dma_wait3A_296 = arith.constant 0 : i32
    %dma_wait3A_297 = tpu.memref_slice %arg4[%dma_wait3A_290, %mul3A_2, %dma_wait3A_296] : memref<50x4096x128xf32, #tpu.memory_space<hbm>> -> memref<1x128x128xf32, #tpu.memory_space<hbm>>
    %dma_wait3A_298 = tpu.memref_squeeze %dma_wait3A_297 : memref<1x128x128xf32, #tpu.memory_space<hbm>> -> memref<128x128xf32, #tpu.memory_space<hbm>>
    %dma_wait3A_299 = tpu.memref_slice %arg8[%dma_wait3A_291] : memref<5x!tpu.dma_semaphore, #tpu.memory_space<semaphore_mem>> -> memref<1x!tpu.dma_semaphore, #tpu.memory_space<semaphore_mem>>
    %dma_wait3A_300 = tpu.memref_squeeze %dma_wait3A_299 : memref<1x!tpu.dma_semaphore, #tpu.memory_space<semaphore_mem>> -> memref<!tpu.dma_semaphore, #tpu.memory_space<semaphore_mem>>
    %dma_wait3A_301 = arith.constant 0 : i32
    %dma_wait3A_302 = tpu.memref_slice %arg4[%dma_wait3A_290, %mul3A_2, %dma_wait3A_301] : memref<50x4096x128xf32, #tpu.memory_space<hbm>> -> memref<1x128x128xf32, #tpu.memory_space<hbm>>
    %dma_wait3A_303 = tpu.memref_squeeze %dma_wait3A_302 : memref<1x128x128xf32, #tpu.memory_space<hbm>> -> memref<128x128xf32, #tpu.memory_space<hbm>>
    %dma_wait3A_304 = arith.constant 0 : i32
    %dma_wait3A_305 = arith.constant 0 : i32
    %dma_wait3A_306 = tpu.memref_slice %arg6[%dma_wait3A_289, %dma_wait3A_304, %dma_wait3A_305] : memref<5x128x128xf32, #tpu.memory_space<vmem>> -> memref<1x128x128xf32, #tpu.memory_space<vmem>>
    %dma_wait3A_307 = tpu.memref_squeeze %dma_wait3A_306 : memref<1x128x128xf32, #tpu.memory_space<vmem>> -> memref<128x128xf32, #tpu.memory_space<vmem>>
    tpu.wait_dma2 semaphore(%dma_wait3A_300 : memref<!tpu.dma_semaphore, #tpu.memory_space<semaphore_mem>>) src(%dma_wait3A_307 : memref<128x128xf32, #tpu.memory_space<vmem>>) dst(%dma_wait3A_303 : memref<128x128xf32, #tpu.memory_space<hbm>>)
    %dma_wait3A_308 = arith.constant 3 : i32
    %dma_wait3A_309 = arith.constant 48 : i32
    %dma_wait3A_310 = arith.constant 3 : i32
    %dma_wait3A_311 = arith.constant 0 : i32
    %dma_wait3A_312 = arith.constant 0 : i32
    %dma_wait3A_313 = tpu.memref_slice %arg6[%dma_wait3A_308, %dma_wait3A_311, %dma_wait3A_312] : memref<5x128x128xf32, #tpu.memory_space<vmem>> -> memref<1x128x128xf32, #tpu.memory_space<vmem>>
    %dma_wait3A_314 = tpu.memref_squeeze %dma_wait3A_313 : memref<1x128x128xf32, #tpu.memory_space<vmem>> -> memref<128x128xf32, #tpu.memory_space<vmem>>
    %dma_wait3A_315 = arith.constant 0 : i32
    %dma_wait3A_316 = tpu.memref_slice %arg4[%dma_wait3A_309, %mul3A_2, %dma_wait3A_315] : memref<50x4096x128xf32, #tpu.memory_space<hbm>> -> memref<1x128x128xf32, #tpu.memory_space<hbm>>
    %dma_wait3A_317 = tpu.memref_squeeze %dma_wait3A_316 : memref<1x128x128xf32, #tpu.memory_space<hbm>> -> memref<128x128xf32, #tpu.memory_space<hbm>>
    %dma_wait3A_318 = tpu.memref_slice %arg8[%dma_wait3A_310] : memref<5x!tpu.dma_semaphore, #tpu.memory_space<semaphore_mem>> -> memref<1x!tpu.dma_semaphore, #tpu.memory_space<semaphore_mem>>
    %dma_wait3A_319 = tpu.memref_squeeze %dma_wait3A_318 : memref<1x!tpu.dma_semaphore, #tpu.memory_space<semaphore_mem>> -> memref<!tpu.dma_semaphore, #tpu.memory_space<semaphore_mem>>
    %dma_wait3A_320 = arith.constant 0 : i32
    %dma_wait3A_321 = tpu.memref_slice %arg4[%dma_wait3A_309, %mul3A_2, %dma_wait3A_320] : memref<50x4096x128xf32, #tpu.memory_space<hbm>> -> memref<1x128x128xf32, #tpu.memory_space<hbm>>
    %dma_wait3A_322 = tpu.memref_squeeze %dma_wait3A_321 : memref<1x128x128xf32, #tpu.memory_space<hbm>> -> memref<128x128xf32, #tpu.memory_space<hbm>>
    %dma_wait3A_323 = arith.constant 0 : i32
    %dma_wait3A_324 = arith.constant 0 : i32
    %dma_wait3A_325 = tpu.memref_slice %arg6[%dma_wait3A_308, %dma_wait3A_323, %dma_wait3A_324] : memref<5x128x128xf32, #tpu.memory_space<vmem>> -> memref<1x128x128xf32, #tpu.memory_space<vmem>>
    %dma_wait3A_326 = tpu.memref_squeeze %dma_wait3A_325 : memref<1x128x128xf32, #tpu.memory_space<vmem>> -> memref<128x128xf32, #tpu.memory_space<vmem>>
    tpu.wait_dma2 semaphore(%dma_wait3A_319 : memref<!tpu.dma_semaphore, #tpu.memory_space<semaphore_mem>>) src(%dma_wait3A_326 : memref<128x128xf32, #tpu.memory_space<vmem>>) dst(%dma_wait3A_322 : memref<128x128xf32, #tpu.memory_space<hbm>>)
    %dma_wait3A_327 = arith.constant 4 : i32
    %dma_wait3A_328 = arith.constant 49 : i32
    %dma_wait3A_329 = arith.constant 4 : i32
    %dma_wait3A_330 = arith.constant 0 : i32
    %dma_wait3A_331 = arith.constant 0 : i32
    %dma_wait3A_332 = tpu.memref_slice %arg6[%dma_wait3A_327, %dma_wait3A_330, %dma_wait3A_331] : memref<5x128x128xf32, #tpu.memory_space<vmem>> -> memref<1x128x128xf32, #tpu.memory_space<vmem>>
    %dma_wait3A_333 = tpu.memref_squeeze %dma_wait3A_332 : memref<1x128x128xf32, #tpu.memory_space<vmem>> -> memref<128x128xf32, #tpu.memory_space<vmem>>
    %dma_wait3A_334 = arith.constant 0 : i32
    %dma_wait3A_335 = tpu.memref_slice %arg4[%dma_wait3A_328, %mul3A_2, %dma_wait3A_334] : memref<50x4096x128xf32, #tpu.memory_space<hbm>> -> memref<1x128x128xf32, #tpu.memory_space<hbm>>
    %dma_wait3A_336 = tpu.memref_squeeze %dma_wait3A_335 : memref<1x128x128xf32, #tpu.memory_space<hbm>> -> memref<128x128xf32, #tpu.memory_space<hbm>>
    %dma_wait3A_337 = tpu.memref_slice %arg8[%dma_wait3A_329] : memref<5x!tpu.dma_semaphore, #tpu.memory_space<semaphore_mem>> -> memref<1x!tpu.dma_semaphore, #tpu.memory_space<semaphore_mem>>
    %dma_wait3A_338 = tpu.memref_squeeze %dma_wait3A_337 : memref<1x!tpu.dma_semaphore, #tpu.memory_space<semaphore_mem>> -> memref<!tpu.dma_semaphore, #tpu.memory_space<semaphore_mem>>
    %dma_wait3A_339 = arith.constant 0 : i32
    %dma_wait3A_340 = tpu.memref_slice %arg4[%dma_wait3A_328, %mul3A_2, %dma_wait3A_339] : memref<50x4096x128xf32, #tpu.memory_space<hbm>> -> memref<1x128x128xf32, #tpu.memory_space<hbm>>
    %dma_wait3A_341 = tpu.memref_squeeze %dma_wait3A_340 : memref<1x128x128xf32, #tpu.memory_space<hbm>> -> memref<128x128xf32, #tpu.memory_space<hbm>>
    %dma_wait3A_342 = arith.constant 0 : i32
    %dma_wait3A_343 = arith.constant 0 : i32
    %dma_wait3A_344 = tpu.memref_slice %arg6[%dma_wait3A_327, %dma_wait3A_342, %dma_wait3A_343] : memref<5x128x128xf32, #tpu.memory_space<vmem>> -> memref<1x128x128xf32, #tpu.memory_space<vmem>>
    %dma_wait3A_345 = tpu.memref_squeeze %dma_wait3A_344 : memref<1x128x128xf32, #tpu.memory_space<vmem>> -> memref<128x128xf32, #tpu.memory_space<vmem>>
    tpu.wait_dma2 semaphore(%dma_wait3A_338 : memref<!tpu.dma_semaphore, #tpu.memory_space<semaphore_mem>>) src(%dma_wait3A_345 : memref<128x128xf32, #tpu.memory_space<vmem>>) dst(%dma_wait3A_341 : memref<128x128xf32, #tpu.memory_space<hbm>>)
    return
  }
}

</mosaic_0001>

<sc_bundles>
// kernel: _embed.3.cloned.1.call-start
scs
__scs_entry_jumppad:
0x0: {  	(pc) =	sbr.rel $0x88, $3  }
0x1: {  	(tag) =	ssettag $0x0;
	lr =	simm.s32 $0x1  }
0x2: {  	[smem:$0x3F9F] =	sst lr;
	_ =	strace $0xD0000000  }
0x3: {  	_ = 	snop  }
0x4: {  	_ = 	snop  }
0x5: {  	_ = 	snop  }
0x6: {  	_ = 	snop  }
0x7: {  	_ = 	snop  }
__scs_overlays_trampoline_lowered:
0x8: {  	[smem:$0x3FAE] =	sst s0  }
0x9: {  	[smem:$0x3FAF] =	sst s1  }
0xa: {  	[smem:$0x3FB0] =	sst s2  }
0xb: {  	[smem:$0x3FB1] =	sst s3  }
0xc: {  	[smem:$0x3FB2] =	sst s4  }
0xd: {  	[smem:$0x3FB3] =	sst s5  }
0xe: {  	[smem:$0x3FB4] =	sst s6  }
0xf: {  	[smem:$0x3FB5] =	sst s7  }
0x10: {  	[smem:$0x3FB6] =	sst s8  }
0x11: {  	[smem:$0x3FB7] =	sst s9;
	s0 =	simm.s32 @!p0 $0x0  }
0x12: {  	s1 =	sld [smem:$0x3F9D];
	s0 =	simm.s32 @p0 $0x1  }
0x13: {  	[smem:$0x3FB8] =	sst s0;
	s0 =	simm.s32 @!p1 $0x0  }
0x14: {  	s2 =	sld [smem:$0x3F9C];
	s0 =	simm.s32 @p1 $0x1  }
0x15: {  	[smem:$0x3FB9] =	sst s0;
	s0 =	simm.s32 @!p2 $0x0  }
0x16: {  	s3 =	sld [smem:$0x3FDB];
	s0 =	simm.s32 @p2 $0x1  }
0x17: {  	s4 =	simm.s32 $0x1BF5;
	[smem:$0x3FBB] =	sst s0  }
0x18: {  	s0 =	sld [smem:$0x3F9E];
	_ =	swait.ge [sflag:s4], $0x0  }
0x19: {  	s7 =	sld [smem:$0x3F9F]  }
0x1a: {  	s8 =	sadd.s32 $0xFFFFE003, lr  }
0x1b: {  	s9 =	sadd.s32 $0xFFFFFEF7, lr;
	s5 =	simm.s32 $0xFFFFFFFF;
	p2 =	slt.u32 s8, $0xFFFFF086  }
0x1c: {  	p1 =	slt.u32 s9, $0xF7A;
	s5 =	simm.s32 @!p2 $0x0  }
0x1d: {  	s5 =	simm.s32 @p1 $0x1;
	p0 =	seq.s32 s7, s2  }
0x1e: {  	s7 =	smul.u32 @!p0 $0xF7A, s2;
	p2 =	seq.s32 @!p0 s5, $0x0  }
0x1f: {  	s9 =	smul.u32 $0xF7A, s1;
	s8 =	simm.s32 @!p0 $0x1BF5;
	p2 =	por !p2, p0  }
0x20: {  	[sflag:s8] =	ssyncset.s32 @!p0 $0xFFFFF086;
	s6 =	sadd.s32 @!p0 s3, s7;
	s7 =	simm.s32 @!p0 $0x108  }
0x21: {  	s3 =	sadd.s32 s3, s9;
	s6 =	sadd.s32 @!p0 $0x88, s6;
	s7 =	simm.s32 @p2 $0x1082  }
0x22: {  	[simem:s7], [sflag:s8] =	dma.local @!p0 [hbm:s6], $0xF7A  }
0x23: {  	s9 =	sor.u32 $0xD0000000, s2;
	s6 =	simm.s32 $0x108;
	_ =	swait.ge @!p0 [sflag:s8], $0x0  }
0x24: {  	s3 =	sadd.s32 $0x88, s3;
	s6 =	simm.s32 @!p1 $0x1082;
	[sflag:s4] =	ssyncset.s32 $0xFFFFF086  }
0x25: {  	[simem:s6], [sflag:s4] =	dma.local [hbm:s3], $0xF7A  }
0x26: {  	[smem:$0x3F9F] =	sst s1;
	(tag) =	ssettag s2;
	_ =	strace s9  }
0x27: {  	s1 =	sld [smem:$0x3FAF]  }
0x28: {  	s2 =	sld [smem:$0x3FB0]  }
0x29: {  	s4 =	sld [smem:$0x3FB2]  }
0x2a: {  	p0 =	seq.s32 s5, $0x0;
	s5 =	sld [smem:$0x3FB3]  }
0x2b: {  	s6 =	sld [smem:$0x3FB4]  }
0x2c: {  	s7 =	sld [smem:$0x3FB5]  }
0x2d: {  	s3 =	simm.s32 $0x108;
	s8 =	sld [smem:$0x3FB6]  }
0x2e: {  	s3 =	simm.s32 @!p0 $0x1082;
	s9 =	sld [smem:$0x3FB7]  }
0x2f: {  	lr =	sadd.s32 s0, s3;
	s0 =	sld [smem:$0x3FAE]  }
0x30: {  	s3 =	sld [smem:$0x3FB1]  }
0x31: {  	[smem:$0x3FBA] =	sst s10  }
0x32: {  	s10 =	sld [smem:$0x3FB8];
	_ =	sdelay $0x3  }
0x33: {  	p0 =	seq.s32 s10, $0x1;
	s10 =	sld [smem:$0x3FBA];
	_ =	sdelay $0x3  }
0x34: {  	[smem:$0x3FBA] =	sst s10  }
0x35: {  	s10 =	sld [smem:$0x3FB9];
	_ =	sdelay $0x3  }
0x36: {  	p1 =	seq.s32 s10, $0x1;
	s10 =	sld [smem:$0x3FBA];
	_ =	sdelay $0x3  }
0x37: {  	[smem:$0x3FBA] =	sst s10  }
0x38: {  	s10 =	sld [smem:$0x3FBB]  }
0x39: {  	_ = 	snop;
	(pc) =	sbr.ind lr, $3  }
0x3a: {  	_ = 	snop  }
0x3b: {  	_ = 	snop  }
0x3c: {  	p2 =	seq.s32 s10, $0x1;
	s10 =	sld [smem:$0x3FBA]  }
0x3d: {  	_ =	shalt  }
0x3e: {  	_ =	shalt  }
0x3f: {  	_ =	shalt  }
0x40: {  	_ =	shalt  }
0x41: {  	_ =	shalt  }
0x42: {  	_ =	shalt  }
0x43: {  	_ =	shalt  }
0x44: {  	_ =	shalt  }
0x45: {  	_ =	shalt  }
0x46: {  	_ =	shalt  }
0x47: {  	_ =	shalt  }
0x48: {  	_ =	shalt  }
0x49: {  	_ =	shalt  }
0x4a: {  	_ =	shalt  }
0x4b: {  	_ =	shalt  }
0x4c: {  	_ =	shalt  }
0x4d: {  	_ =	shalt  }
0x4e: {  	_ =	shalt  }
0x4f: {  	_ =	shalt  }
0x50: {  	_ =	shalt  }
0x51: {  	_ =	shalt  }
0x52: {  	_ =	shalt  }
0x53: {  	_ =	shalt  }
0x54: {  	_ =	shalt  }
0x55: {  	_ =	shalt  }
0x56: {  	_ =	shalt  }
0x57: {  	_ =	shalt  }
0x58: {  	_ =	shalt  }
0x59: {  	_ =	shalt  }
0x5a: {  	_ =	shalt  }
0x5b: {  	_ =	shalt  }
0x5c: {  	_ =	shalt  }
0x5d: {  	_ =	shalt  }
0x5e: {  	_ =	shalt  }
0x5f: {  	_ =	shalt  }
0x60: {  	_ =	shalt  }
0x61: {  	_ =	shalt  }
0x62: {  	_ =	shalt  }
0x63: {  	_ =	shalt  }
0x64: {  	_ =	shalt  }
0x65: {  	_ =	shalt  }
0x66: {  	_ =	shalt  }
0x67: {  	_ =	shalt  }
0x68: {  	_ =	shalt  }
0x69: {  	_ =	shalt  }
0x6a: {  	_ =	shalt  }
0x6b: {  	_ =	shalt  }
0x6c: {  	_ =	shalt  }
0x6d: {  	_ =	shalt  }
0x6e: {  	_ =	shalt  }
0x6f: {  	_ =	shalt  }
0x70: {  	_ =	shalt  }
0x71: {  	_ =	shalt  }
0x72: {  	_ =	shalt  }
0x73: {  	_ =	shalt  }
0x74: {  	_ =	shalt  }
0x75: {  	_ =	shalt  }
0x76: {  	_ =	shalt  }
0x77: {  	_ =	shalt  }
0x78: {  	_ =	shalt  }
0x79: {  	_ =	shalt  }
0x7a: {  	_ =	shalt  }
0x7b: {  	_ =	shalt  }
0x7c: {  	_ =	shalt  }
0x7d: {  	_ =	shalt  }
0x7e: {  	_ =	shalt  }
0x7f: {  	_ =	shalt  }
0x80: {  	_ =	shalt  }
0x81: {  	_ =	shalt  }
0x82: {  	_ =	shalt  }
0x83: {  	_ =	shalt  }
0x84: {  	_ =	shalt  }
0x85: {  	_ =	shalt  }
0x86: {  	_ =	shalt  }
0x87: {  	_ =	shalt  }
.Lfunc_end0:
.L_simem_size_0:
called_computation_lowered:
.L_overlay_start_0:
0x88: {  	s2 =	sld [smem:$0x3FD9]  }
0x89: {  	s3 =	sld [smem:$0x3FFE];
	_ =	sdelay $0x1  }
0x8a: {  	s1 =	srdreg.scid  }
0x8b: {  	s0 =	sand.u32 $0x1, s1  }
0x8c: {  	s18 =	sshll.u32 s0, $0xA;
	s2 =	sadd.s32 s3, s2  }
0x8d: {  	s2 =	sadd.s32 s2, s18  }
0x8e: {  	[smem:$0x3FC6] =	sst s2  }
0x8f: {  	_ = 	snop  }
0x90: {  	s2 =	sld [smem:$0x3FC9]  }
0x91: {  	s19 =	sld [smem:$0x3FC8]  }
0x92: {  	s4 =	sld [smem:$0x3FD0];
	(tm) =	ssettm $0x1  }
0x93: {  	s5 =	sld [smem:$0x3FFB];
	_ =	sdelay $0x3  }
0x94: {  	_ =	strace s5  }
0x95: {  	s5 =	sld [smem:$0x3FFC];
	_ =	sdelay $0x3  }
0x96: {  	_ =	strace s5  }
0x97: {  	s5 =	sld [smem:$0x3FFD];
	_ =	sdelay $0x3  }
0x98: {  	_ =	strace s5  }
0x99: {  	_ =	strace $0x8FFFFFFF  }
0x9a: {  	s20 =	sld [smem:$0x3FDB];
	_ =	sdelay $0x1  }
0x9b: {  	s6 =	simm.s32 $_scs_section_size  }
0x9c: {  	s7 =	simm.s32 $_size__tile_overlayer_lowered;
	s8 =	simm.s32 $_tile_overlayer_lowered  }
0x9d: {  	s23 =	simm.s32 $0x1BFF;
	s22 =	sshll.u32 s8, $0x1;
	s5 =	sadd.s32 s6, s20  }
0x9e: {  	s9 =	simm.s32 $0x0;
	s21 =	sshll.u32 s7, $0x1;
	s7 =	sadd.s32 s22, s5  }
0x9f: {  	[timem:s9], [sflag:s23] =	dma.local [hbm:s7], s21  }
0xa0: {  	_ =	swait.ge [sflag:s23], s21  }
0xa1: {  	s6 =	ssub.s32 $0x0, s21;
	[sflag:s23] =	ssyncset.done $0x0  }
0xa2: {  	[sflag:s23] =	ssyncadd.s32 s6;
	_ =	sdelay $0x1  }
0xa3: {  	s24 =	simm.s32 $0x1B8B  }
0xa4: {  	_ =	swait.ge [sflag:s24], $0x1  }
0xa5: {  	[sflag:s24] =	ssyncset.done $0x0  }
0xa6: {  	s25 =	simm.s32 $0x1B8E;
	[sflag:s24] =	ssyncadd.s32 $0xFFFFFFFF  }
0xa7: {  	s26 =	simm.s32 $execute0_lowered;
	[smem:$0x3FD2] =	sst s25  }
0xa8: {  	s6 =	sshll.u32 s26, $0x1;
	_ =	strace $0x80000046;
	[dreg:$0x1] =	wrdreg $0xFFFFFFFF  }
0xa9: {  	s28 =	simm.s32 $_size_execute0_lowered;
	s5 =	sadd.s32 s5, s6;
	[dreg:$0x0] =	wrdreg $0x0  }
0xaa: {  	s6 =	sshll.u32 s28, $0x1;
	[dreg:$0x2] =	wrdreg s5  }
0xab: {  	[dreg:$0x3] =	wrdreg s6  }
0xac: {  	[dreg:$0x4] =	wrdreg $0xC0  }
0xad: {  	_ =	task [dreg:s9], $0x5FFFF  }
0xae: {  	[dreg:$0x1] =	wrdreg $0xFFFFFFFF  }
0xaf: {  	[dreg:$0x0] =	wrdreg $0x60  }
0xb0: {  	[dreg:$0x2] =	wrdreg s2  }
0xb1: {  	[dreg:$0x3] =	wrdreg s19  }
0xb2: {  	[dreg:$0x4] =	wrdreg s4  }
0xb3: {  	[dreg:$0x5] =	wrdreg $0x9  }
0xb4: {  	_ =	task.clear_ibuf [dreg:s9], $0x6FFFF;
	_ =	strace $0x90000046  }
0xb5: {  	s29 =	simm.s32 $0x9;
	_ =	strace $0x80000048  }
0xb6: {  	_ =	swait.ge [sflag:s29], $0x1  }
0xb7: {  	[sflag:s29] =	ssyncadd.s32 $0xFFFFFFFF  }
0xb8: {  	_ =	strace $0x90000048  }
0xb9: {  	_ =	sfence  }
0xba: {  	s30 =	sld [smem:$0x0];
	_ =	sdelay $0x2  }
0xbb: {  	s31 =	sshll.u32 s1, $0xD;
	s1 =	sshrl.u32 s1, $0x2  }
0xbc: {  	s3 =	sand.u32 $0x4000, s31;
	s1 =	sadd.s32 s1, s30  }
0xbd: {  	s0 =	sor.u32 s3, s0;
	s1 =	sshll.u32 s1, $0x11  }
0xbe: {  	s0 =	sor.u32 s1, s0  }
0xbf: {  	s0 =	sadd.s32 $0x8F2B, s0  }
0xc0: {  	[sflag:s0] =	ssyncadd.remote.s32 $0x1  }
0xc1: {  	_ =	sfence.sel $0xFFFF  }
0xc2: {  	[dreg:$0x0] =	wrdreg $0xFFFFFFFF;
	(pc) =	sbr.abs _section_cstart, $3  }
0xc3: {  	[dreg:$0x1] =	wrdreg $0xFFFFFFFF  }
0xc4: {  	_ =	task.clear_ibuf [dreg:s9], $0x2FFFF;
	_ =	strace $0x9FFFFFFF  }
0xc5: {  	(tm) =	ssettm $0x7FFFFFFF  }
tec
execute0_lowered:
.L_overlay_start_1:
0x0: {  	(tag) =	ssettag $0x1  }
0x1: {  	s0 =	rddreg [dreg:$0x0]  }
0x2: {  	s1 =	rddreg [dreg:$0x1]  }
0x3: {  	s3 =	rddreg [dreg:$0x2];
	s2 =	srdreg.scid;
	s4 =	simm.s32 $0x0  }
0x4: {  	s9 =	stileid.u32;
	s29 =	simm.s32 $0xDC00;
	s31 =	simm.s32 $0x11C00  }
0x5: {  	s28 =	simm.s32 $0x4;
	s30 =	simm.s32 $0x9;
	s2 =	sand.u32 $0x1, s2  }
0x6: {  	s6 =	sshll.u32 s9, $0x8;
	[smem:$0x7FF] =	sst s4;
	s13 =	sshll.u32 s9, $0xF  }
0x7: {  	s9 =	simm.s32 $0x0;
	s5 =	ssub.s32 $0x2, s2;
	s7 =	sshll.u32 s2, $0x7  }
0x8: {  	_ =	strace $0x80000047;
	s2 =	sshll.u32 s2, $0xE;
	s8 =	sshrl.u32 s5, $0x1  }
0x9: {  	s6 =	sor.u32 s7, s6;
	s15 =	sor.u32 s2, s13;
	s5 =	ssub.s32 s5, s8  }
0xa: {  	s7 =	sadd.s32 s0, s6;
	s12 =	sshll.u32 s6, $0x4;
	s19 =	sor.u32 $0x200000, s15  }
0xb: {  	s22 =	sor.u32 $0x180000, s15;
	s23 =	sor.u32 $0x100000, s15;
	s24 =	sor.u32 $0x80000, s15  }
0xc: {  	s0 =	simm.s32 $0x1;
	s6 =	simm.s32 $0x5;
	s8 =	simm.s32 $0xA  }
0xd: {  	[dreg:$0x4] =	wrdreg s7;
	s7 =	sadd.s32 $0x6000, s7;
	s14 =	sadd.s32 s3, s12  }
0xe: {  	s2 =	sshrl.u32 s19, $0x3;
	s5 =	smax.u32 s5, $0x1;
	[dreg:$0x5] =	wrdreg s7  }
0xf: {  	s25 =	sshrl.u32 s23, $0x3;
	s26 =	sshrl.u32 s24, $0x3;
	[dreg:$0x6] =	wrdreg s14  }
0x10: {  	s23 =	simm.s32 $0x1C00;
	s17 =	sadd.s32 $0x2E0000, s14;
	[dreg:$0xb] =	wrdreg s5  }
0x11: {  	s24 =	simm.s32 $0x5C00;
	s18 =	sadd.s32 $0x2F0000, s14;
	[dreg:$0x7] =	wrdreg s17  }
0x12: {  	s19 =	simm.s32 $0x7;
	s20 =	sadd.s32 $0x300000, s14;
	[dreg:$0x8] =	wrdreg s18  }
0x13: {  	s21 =	sadd.s32 $0x310000, s14;
	s2 =	sadd.s32 s2, s3;
	[dreg:$0x9] =	wrdreg s20  }
0x14: {  	s16 =	sadd.s32 s26, s3;
	s26 =	simm.s32 $0x9C00;
	[dreg:$0xa] =	wrdreg s21  }
0x15: {  	[dreg:$0xc] =	wrdreg s2;
	s2 =	sshrl.u32 s22, $0x3;
	s17 =	sor.u32 $0x280000, s15  }
0x16: {  	s22 =	simm.s32 $0x80;
	s18 =	simm.s32 $0x2;
	s2 =	sadd.s32 s2, s3  }
0x17: {  	s20 =	simm.s32 $0x3;
	[dreg:$0xd] =	wrdreg s2;
	s2 =	sadd.s32 s25, s3  }
0x18: {  	s25 =	simm.s32 $0x8;
	[dreg:$0xe] =	wrdreg s2;
	s2 =	simm.s32 $0x6  }
.LBB2_1:
0x19: {  	s5 =	rddreg [dreg:$0x4];
	s7 =	simm.s32 $0x400;
	s10 =	simm.s32 $0x8000  }
0x1a: {  	[tilespmem:s4], [sflag:$0xB] =	stream.strided.gather [hbm4b:s5+s7], $0x1800, s10, s7, $0x38;
	[tilespmem:$0x15C00] =	vst v63  }
0x1b: {  	s12 =	rddreg [dreg:$0x5];
	s13 =	simm.s32 $0x1800;
	s14 =	simm.s32 $0xB  }
0x1c: {  	[tilespmem:s13], [sflag:$0xB] =	stream.linear.gather [hbm4b:s12+s4], $0x100, $0x38;
	[tilespmem:$0x15C00] =	vst v63  }
0x1d: {  	_ =	swait.ge [sflag:s14], $0x1900  }
0x1e: {  	[sflag:s14] =	ssyncset.done $0x0  }
0x1f: {  	[sflag:s14] =	ssyncadd.s32 $0xFFFFE700  }
0x20: {  	[tilespmem:s23], [sflag:$0x1] =	stream.indirect.gather [hbm4b:s1+s22], $0x80, s4, s22, $0xb8;
	[tilespmem:$0x15C00] =	vst v63  }
0x21: {  	_ = 	snop  }
0x22: {  	[tilespmem:s24], [sflag:$0x2] =	stream.indirect.gather [hbm4b:s1+s22], $0x80, s22, s22, $0xb8;
	[tilespmem:$0x15C00] =	vst v63  }
0x23: {  	s15 =	simm.s32 $0x100  }
0x24: {  	[tilespmem:s26], [sflag:$0x3] =	stream.indirect.gather [hbm4b:s1+s22], $0x80, s15, s22, $0xb8;
	[tilespmem:$0x15C00] =	vst v63  }
0x25: {  	s21 =	simm.s32 $0x180  }
0x26: {  	[tilespmem:s29], [sflag:$0x4] =	stream.indirect.gather [hbm4b:s1+s22], $0x80, s21, s22, $0xb8;
	[tilespmem:$0x15C00] =	vst v63  }
0x27: {  	s7 =	simm.s32 $0x200  }
0x28: {  	[tilespmem:s31], [sflag:$0x5] =	stream.indirect.gather [hbm4b:s1+s22], $0x80, s7, s22, $0xb8;
	[tilespmem:$0x15C00] =	vst v63  }
0x29: {  	_ =	swait.ge [sflag:s0], $0x4000  }
0x2a: {  	[sflag:s0] =	ssyncset.done $0x0  }
0x2b: {  	s10 =	rddreg [dreg:$0x6];
	[sflag:s0] =	ssyncadd.s32 $0xFFFFC000  }
0x2c: {  	[hbm4b:s10+s4] =	stream.linear.scatter [tilespmem:s23], [sflag:$0x6], $0x4000, $0x38;
	[tilespmem:$0x15C00] =	vst v63  }
0x2d: {  	_ =	swait.ge [sflag:s2], $0x4000  }
0x2e: {  	[sflag:s2] =	ssyncset.done $0x0  }
0x2f: {  	s11 =	simm.s32 $0x280;
	[sflag:s2] =	ssyncadd.s32 $0xFFFFC000  }
0x30: {  	[tilespmem:s23], [sflag:$0x1] =	stream.indirect.gather [hbm4b:s1+s22], $0x80, s11, s22, $0xb8;
	[tilespmem:$0x15C00] =	vst v63  }
0x31: {  	_ =	swait.ge [sflag:s18], $0x4000  }
0x32: {  	[sflag:s18] =	ssyncset.done $0x0  }
0x33: {  	[sflag:s18] =	ssyncadd.s32 $0xFFFFC000  }
0x34: {  	[hbm4b:s16+s4] =	stream.linear.scatter [tilespmem:s24], [sflag:$0x7], $0x4000, $0x38;
	[tilespmem:$0x15C00] =	vst v63  }
0x35: {  	_ =	swait.ge [sflag:s19], $0x4000  }
0x36: {  	[sflag:s19] =	ssyncset.done $0x0  }
0x37: {  	s12 =	simm.s32 $0x300;
	[sflag:s19] =	ssyncadd.s32 $0xFFFFC000  }
0x38: {  	[tilespmem:s24], [sflag:$0x2] =	stream.indirect.gather [hbm4b:s1+s22], $0x80, s12, s22, $0xb8;
	[tilespmem:$0x15C00] =	vst v63  }
0x39: {  	_ =	swait.ge [sflag:s20], $0x4000  }
0x3a: {  	[sflag:s20] =	ssyncset.done $0x0  }
0x3b: {  	s11 =	rddreg [dreg:$0xe];
	[sflag:s20] =	ssyncadd.s32 $0xFFFFC000  }
0x3c: {  	[hbm4b:s11+s4] =	stream.linear.scatter [tilespmem:s26], [sflag:$0x8], $0x4000, $0x38;
	[tilespmem:$0x15C00] =	vst v63  }
0x3d: {  	_ =	swait.ge [sflag:s25], $0x4000  }
0x3e: {  	[sflag:s25] =	ssyncset.done $0x0  }
0x3f: {  	s13 =	simm.s32 $0x380;
	[sflag:s25] =	ssyncadd.s32 $0xFFFFC000  }
0x40: {  	[tilespmem:s26], [sflag:$0x3] =	stream.indirect.gather [hbm4b:s1+s22], $0x80, s13, s22, $0xb8;
	[tilespmem:$0x15C00] =	vst v63  }
0x41: {  	_ =	swait.ge [sflag:s28], $0x4000  }
0x42: {  	[sflag:s28] =	ssyncset.done $0x0  }
0x43: {  	s15 =	rddreg [dreg:$0xd];
	[sflag:s28] =	ssyncadd.s32 $0xFFFFC000  }
0x44: {  	[hbm4b:s15+s4] =	stream.linear.scatter [tilespmem:s29], [sflag:$0x9], $0x4000, $0x38;
	[tilespmem:$0x15C00] =	vst v63  }
0x45: {  	_ =	swait.ge [sflag:s30], $0x4000  }
0x46: {  	[sflag:s30] =	ssyncset.done $0x0  }
0x47: {  	s14 =	simm.s32 $0x400;
	[sflag:s30] =	ssyncadd.s32 $0xFFFFC000  }
0x48: {  	[tilespmem:s29], [sflag:$0x4] =	stream.indirect.gather [hbm4b:s1+s22], $0x80, s14, s22, $0xb8;
	[tilespmem:$0x15C00] =	vst v63  }
0x49: {  	_ =	swait.ge [sflag:s6], $0x4000  }
0x4a: {  	[sflag:s6] =	ssyncset.done $0x0  }
0x4b: {  	s14 =	rddreg [dreg:$0xc];
	[sflag:s6] =	ssyncadd.s32 $0xFFFFC000  }
0x4c: {  	[hbm4b:s14+s4] =	stream.linear.scatter [tilespmem:s31], [sflag:$0xA], $0x4000, $0x38;
	[tilespmem:$0x15C00] =	vst v63  }
0x4d: {  	_ =	swait.ge [sflag:s8], $0x4000  }
0x4e: {  	s5 =	simm.s32 $0xA00;
	[sflag:s8] =	ssyncset.done $0x0  }
0x4f: {  	s21 =	simm.s32 $0x480;
	s10 =	sadd.s32 $0x280000, s17;
	[sflag:s8] =	ssyncadd.s32 $0xFFFFC000  }
0x50: {  	[tilespmem:s31], [sflag:$0x5] =	stream.indirect.gather [hbm4b:s1+s22], $0x80, s21, s22, $0xb8;
	[tilespmem:$0x15C00] =	vst v63  }
0x51: {  	s12 =	sadd.s32 $0x50000, s16;
	s13 =	sshrl.u32 s17, $0x3;
	_ =	swait.ge [sflag:s0], $0x4000  }
0x52: {  	s11 =	sadd.s32 $0x50000, s11;
	s13 =	sadd.s32 s3, s13;
	[sflag:s0] =	ssyncset.done $0x0  }
0x53: {  	s7 =	sadd.s32 $0x50000, s15;
	s21 =	sadd.s32 $0x50000, s14;
	[sflag:s0] =	ssyncadd.s32 $0xFFFFC000  }
.LBB2_2:
0x54: {  	[hbm4b:s13+s4] =	stream.linear.scatter [tilespmem:s23], [sflag:$0x6], $0x4000, $0x38;
	[tilespmem:$0x15C00] =	vst v63  }
0x55: {  	s14 =	smov.u32 s5;
	s13 =	smov.u32 s10  }
0x56: {  	p0 =	sne.s32 s5, $0x5000;
	s5 =	sadd.s32 $0xA00, s5;
	_ =	swait.ge [sflag:s2], $0x4000  }
0x57: {  	s14 =	sshra.s32 s14, $0x2;
	[sflag:s2] =	ssyncset.done $0x0  }
0x58: {  	s15 =	sadd.s32 $0x280, s14;
	[sflag:s2] =	ssyncadd.s32 $0xFFFFC000  }
0x59: {  	[tilespmem:s23], [sflag:$0x1] =	stream.indirect.gather [hbm4b:s1+s22], $0x80, s15, s22, $0xb8;
	[tilespmem:$0x15C00] =	vst v63  }
0x5a: {  	_ =	swait.ge [sflag:s18], $0x4000  }
0x5b: {  	[sflag:s18] =	ssyncset.done $0x0  }
0x5c: {  	[sflag:s18] =	ssyncadd.s32 $0xFFFFC000  }
0x5d: {  	[hbm4b:s12+s4] =	stream.linear.scatter [tilespmem:s24], [sflag:$0x7], $0x4000, $0x38;
	[tilespmem:$0x15C00] =	vst v63  }
0x5e: {  	_ =	swait.ge [sflag:s19], $0x4000  }
0x5f: {  	[sflag:s19] =	ssyncset.done $0x0  }
0x60: {  	s15 =	sadd.s32 $0x300, s14;
	[sflag:s19] =	ssyncadd.s32 $0xFFFFC000  }
0x61: {  	[tilespmem:s24], [sflag:$0x2] =	stream.indirect.gather [hbm4b:s1+s22], $0x80, s15, s22, $0xb8;
	[tilespmem:$0x15C00] =	vst v63  }
0x62: {  	_ =	swait.ge [sflag:s20], $0x4000  }
0x63: {  	[sflag:s20] =	ssyncset.done $0x0  }
0x64: {  	[sflag:s20] =	ssyncadd.s32 $0xFFFFC000  }
0x65: {  	[hbm4b:s11+s4] =	stream.linear.scatter [tilespmem:s26], [sflag:$0x8], $0x4000, $0x38;
	[tilespmem:$0x15C00] =	vst v63  }
0x66: {  	_ =	swait.ge [sflag:s25], $0x4000  }
0x67: {  	[sflag:s25] =	ssyncset.done $0x0  }
0x68: {  	s15 =	sadd.s32 $0x380, s14;
	[sflag:s25] =	ssyncadd.s32 $0xFFFFC000  }
0x69: {  	[tilespmem:s26], [sflag:$0x3] =	stream.indirect.gather [hbm4b:s1+s22], $0x80, s15, s22, $0xb8;
	[tilespmem:$0x15C00] =	vst v63  }
0x6a: {  	_ =	swait.ge [sflag:s28], $0x4000  }
0x6b: {  	[sflag:s28] =	ssyncset.done $0x0  }
0x6c: {  	[sflag:s28] =	ssyncadd.s32 $0xFFFFC000  }
0x6d: {  	[hbm4b:s7+s4] =	stream.linear.scatter [tilespmem:s29], [sflag:$0x9], $0x4000, $0x38;
	[tilespmem:$0x15C00] =	vst v63  }
0x6e: {  	_ =	swait.ge [sflag:s30], $0x4000  }
0x6f: {  	[sflag:s30] =	ssyncset.done $0x0  }
0x70: {  	s15 =	sadd.s32 $0x400, s14;
	[sflag:s30] =	ssyncadd.s32 $0xFFFFC000  }
0x71: {  	[tilespmem:s29], [sflag:$0x4] =	stream.indirect.gather [hbm4b:s1+s22], $0x80, s15, s22, $0xb8;
	[tilespmem:$0x15C00] =	vst v63  }
0x72: {  	_ =	swait.ge [sflag:s6], $0x4000  }
0x73: {  	[sflag:s6] =	ssyncset.done $0x0  }
0x74: {  	[sflag:s6] =	ssyncadd.s32 $0xFFFFC000  }
0x75: {  	[hbm4b:s21+s4] =	stream.linear.scatter [tilespmem:s31], [sflag:$0xA], $0x4000, $0x38;
	[tilespmem:$0x15C00] =	vst v63  }
0x76: {  	_ =	swait.ge [sflag:s8], $0x4000  }
0x77: {  	s10 =	sadd.s32 $0x280000, s10;
	[sflag:s8] =	ssyncset.done $0x0  }
.Ltmp0:
0x78: {  	s14 =	sadd.s32 $0x480, s14;
	[sflag:s8] =	ssyncadd.s32 $0xFFFFC000;
	(pc) =	sbr.rel @p0 .LBB2_2-.Ltmp0, $4  }
0x79: {  	[tilespmem:s31], [sflag:$0x5] =	stream.indirect.gather [hbm4b:s1+s22], $0x80, s14, s22, $0xb8;
	[tilespmem:$0x15C00] =	vst v63  }
0x7a: {  	s12 =	sadd.s32 $0x50000, s12;
	s11 =	sadd.s32 $0x50000, s11;
	_ =	swait.ge [sflag:s0], $0x4000  }
0x7b: {  	s13 =	sshrl.u32 s13, $0x3;
	s7 =	sadd.s32 $0x50000, s7;
	[sflag:s0] =	ssyncset.done $0x0  }
0x7c: {  	s13 =	sadd.s32 s3, s13;
	s21 =	sadd.s32 $0x50000, s21;
	[sflag:s0] =	ssyncadd.s32 $0xFFFFC000  }
0x7d: {  	[hbm4b:s13+s4] =	stream.linear.scatter [tilespmem:s23], [sflag:$0x6], $0x4000, $0x38;
	[tilespmem:$0x15C00] =	vst v63  }
0x7e: {  	_ =	swait.ge [sflag:s18], $0x4000  }
0x7f: {  	[sflag:s18] =	ssyncset.done $0x0  }
0x80: {  	s5 =	rddreg [dreg:$0x7];
	[sflag:s18] =	ssyncadd.s32 $0xFFFFC000  }
0x81: {  	[hbm4b:s5+s4] =	stream.linear.scatter [tilespmem:s24], [sflag:$0x7], $0x4000, $0x38;
	[tilespmem:$0x15C00] =	vst v63  }
0x82: {  	_ =	swait.ge [sflag:s20], $0x4000  }
0x83: {  	[sflag:s20] =	ssyncset.done $0x0  }
0x84: {  	s13 =	rddreg [dreg:$0x8];
	[sflag:s20] =	ssyncadd.s32 $0xFFFFC000  }
0x85: {  	[hbm4b:s13+s4] =	stream.linear.scatter [tilespmem:s26], [sflag:$0x8], $0x4000, $0x38;
	[tilespmem:$0x15C00] =	vst v63  }
0x86: {  	_ =	swait.ge [sflag:s28], $0x4000  }
0x87: {  	[sflag:s28] =	ssyncset.done $0x0  }
0x88: {  	s14 =	rddreg [dreg:$0x9];
	[sflag:s28] =	ssyncadd.s32 $0xFFFFC000  }
0x89: {  	[hbm4b:s14+s4] =	stream.linear.scatter [tilespmem:s29], [sflag:$0x9], $0x4000, $0x38;
	[tilespmem:$0x15C00] =	vst v63  }
0x8a: {  	_ =	swait.ge [sflag:s6], $0x4000  }
0x8b: {  	[sflag:s6] =	ssyncset.done $0x0  }
0x8c: {  	s15 =	rddreg [dreg:$0xa];
	[sflag:s6] =	ssyncadd.s32 $0xFFFFC000  }
0x8d: {  	[hbm4b:s15+s4] =	stream.linear.scatter [tilespmem:s31], [sflag:$0xA], $0x4000, $0x38;
	[tilespmem:$0x15C00] =	vst v63  }
0x8e: {  	_ =	swait.ge [sflag:s2], $0x4000  }
0x8f: {  	[sflag:s2] =	ssyncset.done $0x0  }
0x90: {  	[sflag:s2] =	ssyncadd.s32 $0xFFFFC000  }
0x91: {  	_ =	swait.ge [sflag:s19], $0x4000  }
0x92: {  	[sflag:s19] =	ssyncset.done $0x0  }
0x93: {  	[sflag:s19] =	ssyncadd.s32 $0xFFFFC000  }
0x94: {  	_ =	swait.ge [sflag:s25], $0x4000  }
0x95: {  	[sflag:s25] =	ssyncset.done $0x0  }
0x96: {  	[sflag:s25] =	ssyncadd.s32 $0xFFFFC000  }
0x97: {  	_ =	swait.ge [sflag:s30], $0x4000  }
0x98: {  	[sflag:s30] =	ssyncset.done $0x0  }
0x99: {  	[sflag:s30] =	ssyncadd.s32 $0xFFFFC000  }
0x9a: {  	_ =	swait.ge [sflag:s8], $0x4000  }
0x9b: {  	s9 =	sadd.s32 $0x1, s9;
	s21 =	rddreg [dreg:$0xb]  }
0x9c: {  	p0 =	sne.s32 s9, s21  }
.Ltmp1:
0x9d: {  	_ = 	snop;
	(pc) =	sbr.rel @p0 .LBB2_1-.Ltmp1, $3  }
0x9e: {  	_ =	sdelay $0x1  }
0x9f: {  	[sflag:s8] =	ssyncset.done $0x0  }
0xa0: {  	[sflag:s8] =	ssyncadd.s32 $0xFFFFC000  }
0xa1: {  	_ =	sfence.sel $0x180000  }
0xa2: {  	[bflag:$0x0] =	sbarrier.arrive $0xFFFF  }
0xa3: {  	_ =	strace $0x90000047  }
0xa4: {  	s0 =	stileid.u32;
	[bflag:$0x2] =	sbarrier.arrive $0xFFFF  }
0xa5: {  	p0 =	sne.s32 s0, $0x0;
	s0 =	rddreg [dreg:$0x3]  }
0xa6: {  	s0 =	sadd.s32 @!p0 $0x100000, s0  }
0xa7: {  	[sflag:s0] =	ssyncadd.tile.s32 @!p0 $0x1;
	_ =	shalt  }
.Lfunc_end2:
_tile_overlayer_lowered:
.L_overlay_start_2:
0xa8: {  	(tag) =	ssettag $0x2  }
0xa9: {  	s0 =	rddreg [dreg:$0x0];
	s2 =	stileid.u32  }
0xaa: {  	s1 =	rddreg [dreg:$0x1];
	p0 =	sne.s32 s2, $0x0  }
0xab: {  	s3 =	rddreg [dreg:$0x2];
	[bflag:$0x3] =	sbarrier.arrive $0xFFFF;
	s2 =	simm.s32 @!p0 $0x1C0B  }
0xac: {  	[timem:s3], [sflag:s2] =	dma.local @!p0 [hbm:s0], s1  }
0xad: {  	s0 =	simm.s32 @!p0 $0xB  }
0xae: {  	_ =	swait.ge @!p0 [sflag:s0], s1  }
0xaf: {  	s1 =	ssub.s32 @!p0 $0x0, s1;
	[sflag:s0] =	ssyncset.done @!p0 $0x0  }
0xb0: {  	[sflag:s0] =	ssyncadd.s32 @!p0 s1  }
0xb1: {  	[bflag:$0x3] =	sbarrier.arrive $0xFFFF  }
0xb2: {  	_ =	shalt  }

</sc_bundles>
